<compile_context>
chip_gen: v7x
topology: tpu7x:2x2x1
jax: 0.10.2.dev20260603
libtpu: 0.0.44.dev20260713+nightly
codegen_flags: <defaults>
</compile_context>

<pallas_src>
import functools

import jax
import jax.numpy as jnp
import numpy as np
from jax import lax
from jax.experimental import pallas as pl
from jax.experimental.pallas import tpu as pltpu
from jax.experimental.pallas import tpu_sc as plsc

_B, _S, _DM = 1, 4096, 2048
_H, _HKV, _DH = 16, 2, 128
_KSEL = 1228
_SBLK = 512
_NSB = _S // _SBLK
_SQRT_DH = np.sqrt(_DH)
_NEG = -1e30


def _proj_body(hs_ref, wq_ref, wkv_ref, b_ref, cos_ref, sin_ref, oq_ref, okv_ref):
    hsb = hs_ref[...].astype(jnp.bfloat16)
    q = jnp.dot(hsb, wq_ref[...], preferred_element_type=jnp.float32)
    q = q + b_ref[0:1, :_H * _DH]
    kv = jnp.dot(hsb, wkv_ref[...], preferred_element_type=jnp.float32)
    kv = kv + b_ref[0:1, _H * _DH:]
    cos = cos_ref[...]
    sin = sin_ref[...]
    for h in range(_H):
        qh = q[:, h * _DH:(h + 1) * _DH]
        rot = jnp.concatenate([-qh[:, _DH // 2:], qh[:, :_DH // 2]], axis=1)
        oq_ref[:, h * _DH:(h + 1) * _DH] = (qh * cos + rot * sin).astype(jnp.bfloat16)
    for h in range(_HKV):
        kh = kv[:, h * _DH:(h + 1) * _DH]
        rot = jnp.concatenate([-kh[:, _DH // 2:], kh[:, :_DH // 2]], axis=1)
        okv_ref[:, h * _DH:(h + 1) * _DH] = (kh * cos + rot * sin).astype(jnp.bfloat16)
    okv_ref[:, _HKV * _DH:] = kv[:, _HKV * _DH:].astype(jnp.bfloat16)


def _select_body(ql_ref, ke_ref, dest_ref):
    ql = ql_ref[0:1, :].astype(jnp.float32)
    acc0 = jnp.zeros((1, _DH), jnp.float32)
    acc1 = jnp.zeros((1, _DH), jnp.float32)
    for h in range(_H // 2):
        acc0 = acc0 + ql[:, h * _DH:(h + 1) * _DH]
    for h in range(_H // 2, _H):
        acc1 = acc1 + ql[:, h * _DH:(h + 1) * _DH]
    a = jnp.concatenate([acc0, acc1], axis=1) * (1.0 / _H)
    ke3 = ke_ref[...].astype(jnp.float32).reshape(32, 128, _HKV * _DH)
    imp = jnp.sum(ke3 * a.reshape(1, 1, _HKV * _DH), axis=2)

    def cnt_ge(x):
        return jnp.sum((imp >= x).astype(jnp.int32))

    lo0 = jnp.min(imp)
    hi0 = jnp.max(imp) + 1.0

    def bisect(_, c):
        lo, hi = c
        mid = 0.5 * (lo + hi)
        p = cnt_ge(mid) >= _KSEL
        return jnp.where(p, mid, lo), jnp.where(p, hi, mid)

    lo, hi = jax.lax.fori_loop(0, 64, bisect, (lo0, hi0))
    thr = lo
    count_gt = jnp.sum((imp > thr).astype(jnp.int32))
    need_eq = _KSEL - count_gt
    eq = imp == thr
    flat = (jax.lax.broadcasted_iota(jnp.int32, (32, 128), 0) * 128
            + jax.lax.broadcasted_iota(jnp.int32, (32, 128), 1))

    def bisect_idx(_, c):
        l, h = c
        mid = (l + h) // 2
        cc = jnp.sum((eq & (flat <= mid)).astype(jnp.int32))
        p = cc >= need_eq
        return jnp.where(p, l, mid + 1), jnp.where(p, mid, h)

    l2, h2 = jax.lax.fori_loop(0, 13, bisect_idx, (jnp.int32(0), jnp.int32(_S - 1)))
    sel = (imp > thr) | (eq & (flat <= h2))
    sel_bf = sel.astype(jnp.bfloat16)
    iu = jax.lax.broadcasted_iota(jnp.int32, (128, 128), 0)
    ju = jax.lax.broadcasted_iota(jnp.int32, (128, 128), 1)
    upper = (iu <= ju).astype(jnp.bfloat16)
    rowcs = jnp.dot(sel_bf, upper, preferred_element_type=jnp.float32)
    il = jax.lax.broadcasted_iota(jnp.int32, (32, 32), 0)
    jl = jax.lax.broadcasted_iota(jnp.int32, (32, 32), 1)
    lower = (jl < il).astype(jnp.bfloat16)
    rowtot = rowcs[:, 127:128].astype(jnp.bfloat16)
    rowoff = jnp.dot(lower, rowtot, preferred_element_type=jnp.float32)
    pos = (rowcs + rowoff).astype(jnp.int32) - sel.astype(jnp.int32)
    dest_ref[...] = jnp.where(sel, pos, _KSEL + flat - pos)


_KPAD = 1280
_NW = 16
_TPW = _S // _NW
_OPAD = _S


def _sc_scatter_body(dest_hbm, kv_hbm, out_hbm, idx_v, rows_v, sem):
    wid = lax.axis_index("s")
    nch = _TPW // 128
    pltpu.sync_copy(dest_hbm.at[pl.ds(wid * nch, nch)], idx_v)
    pltpu.sync_copy(kv_hbm.at[pl.ds(wid * _TPW, _TPW)], rows_v)
    for j in range(nch):
        pltpu.async_copy(rows_v.at[pl.ds(j * 128, 128)],
                         out_hbm.at[idx_v.at[j]], sem).wait()


def _sc_gather(dest_flat, kv_i32):
    mesh = plsc.VectorSubcoreMesh(
        core_axis_name="c", subcore_axis_name="s", num_cores=1)
    f = functools.partial(
        pl.kernel,
        out_type=jax.ShapeDtypeStruct((_OPAD, _HKV * _DH), jnp.int32),
        mesh=mesh,
        scratch_types=[
            pltpu.VMEM((_TPW // 128, 128), jnp.int32),
            pltpu.VMEM((_TPW, _HKV * _DH), jnp.int32),
            pltpu.SemaphoreType.DMA,
        ],
    )(_sc_scatter_body)
    return f(dest_flat.reshape(_NW * (_TPW // 128), 128), kv_i32)


_LOG2E = float(np.log2(np.e))
_SC_EXP2 = _LOG2E / _SQRT_DH


def _attn_out_body(q_ref, kv_ref, bias_ref, wo_ref, o_ref):
    bias2 = bias_ref[0:1, :]
    cols = []
    for g in range(_HKV):
        k = kv_ref[:, g * _DH:(g + 1) * _DH]
        v = kv_ref[:, (_HKV + g) * _DH:(_HKV + g + 1) * _DH]
        for hh in range(_H // _HKV):
            h = g * (_H // _HKV) + hh
            q = q_ref[:, h * _DH:(h + 1) * _DH]
            s = jax.lax.dot_general(q, k, (((1,), (1,)), ((), ())),
                                    preferred_element_type=jnp.float32)
            e = jnp.exp2(s * _SC_EXP2 + bias2)
            den = jnp.sum(e, axis=1, keepdims=True)
            pv = jnp.dot(e.astype(jnp.bfloat16), v,
                         preferred_element_type=jnp.float32)
            cols.append((pv / den).astype(jnp.bfloat16))
    attn = jnp.concatenate(cols, axis=1)
    o_ref[...] = jnp.dot(attn, wo_ref[...], preferred_element_type=jnp.float32)


def kernel(hidden_states, cos, sin, Wq, bq, Wk, bk, Wv, bv, Wo):
    cosr = cos[:, 0]
    sinr = sin[:, 0]
    bounds = [0, 16, 40, 64, 80, 104, 128]
    cos_c = jnp.concatenate(
        [cosr[i % 3, :, bounds[i]:bounds[i + 1]] for i in range(6)], axis=-1)
    sin_c = jnp.concatenate(
        [sinr[i % 3, :, bounds[i]:bounds[i + 1]] for i in range(6)], axis=-1)

    ball = jnp.broadcast_to(
        jnp.concatenate([bq, bk, bv]).reshape(1, -1), (8, (_H + 2 * _HKV) * _DH))
    wq = Wq.astype(jnp.bfloat16)
    wkv = jnp.concatenate([Wk, Wv], axis=1).astype(jnp.bfloat16)
    wo = Wo.astype(jnp.bfloat16)

    q_emb, kv_emb = pl.pallas_call(
        _proj_body,
        grid=(_NSB,),
        in_specs=[
            pl.BlockSpec((_SBLK, _DM), lambda i: (i, 0)),
            pl.BlockSpec((_DM, _H * _DH), lambda i: (0, 0)),
            pl.BlockSpec((_DM, 2 * _HKV * _DH), lambda i: (0, 0)),
            pl.BlockSpec((8, (_H + 2 * _HKV) * _DH), lambda i: (0, 0)),
            pl.BlockSpec((_SBLK, _DH), lambda i: (i, 0)),
            pl.BlockSpec((_SBLK, _DH), lambda i: (i, 0)),
        ],
        out_specs=[
            pl.BlockSpec((_SBLK, _H * _DH), lambda i: (i, 0)),
            pl.BlockSpec((_SBLK, 2 * _HKV * _DH), lambda i: (i, 0)),
        ],
        out_shape=[
            jax.ShapeDtypeStruct((_S, _H * _DH), jnp.bfloat16),
            jax.ShapeDtypeStruct((_S, 2 * _HKV * _DH), jnp.bfloat16),
        ],
    )(hidden_states[0], wq, wkv, ball, cos_c, sin_c)

    q_last = jnp.broadcast_to(q_emb[_S - 1:_S, :], (8, _H * _DH))
    k_emb = kv_emb[:, :_HKV * _DH]

    dest32 = pl.pallas_call(
        _select_body,
        in_specs=[
            pl.BlockSpec((8, _H * _DH), lambda: (0, 0)),
            pl.BlockSpec((_S, _HKV * _DH), lambda: (0, 0)),
        ],
        out_specs=pl.BlockSpec((32, 128), lambda: (0, 0)),
        out_shape=jax.ShapeDtypeStruct((32, 128), jnp.int32),
    )(q_last, k_emb)

    kv_i32 = lax.bitcast_convert_type(
        kv_emb.reshape(_S, _HKV * _DH, 2), jnp.int32)
    kv_sp_i32 = _sc_gather(dest32.reshape(_S), kv_i32)
    kv_sp = lax.bitcast_convert_type(
        kv_sp_i32[:_KPAD], jnp.bfloat16).reshape(_KPAD, 2 * _HKV * _DH)

    col = jnp.arange(_KPAD)
    bias_row = jnp.broadcast_to(
        jnp.where(col < _KSEL, 0.0, _NEG * _LOG2E).astype(jnp.float32)
        .reshape(1, _KPAD), (8, _KPAD))

    qblk = 1024
    out = pl.pallas_call(
        _attn_out_body,
        grid=(_S // qblk,),
        in_specs=[
            pl.BlockSpec((qblk, _H * _DH), lambda i: (i, 0)),
            pl.BlockSpec((_KPAD, 2 * _HKV * _DH), lambda i: (0, 0)),
            pl.BlockSpec((8, _KPAD), lambda i: (0, 0)),
            pl.BlockSpec((_DM, _DM), lambda i: (0, 0)),
        ],
        out_specs=pl.BlockSpec((qblk, _DM), lambda i: (i, 0)),
        out_shape=jax.ShapeDtypeStruct((_S, _DM), jnp.float32),
    )(q_emb, kv_sp, bias_row, wo)

    return out.reshape(_B, _S, _DM)

# --- scband reference (transcript-rebuilt; emitter-appended) ---
"""Pipeline reference for scband-qwen2-5-vlsdpa-attention-14602888806742 (READ-ONLY COPY).

The authoritative reference and input builder live on the scoring server;
editing this copy changes nothing except your own understanding.
"""

import jax, jax.numpy as jnp
import numpy as np

B, S, D_MODEL = 1, 4096, 2048
H, H_KV, D_H = 16, 2, 128
MROPE = [16, 24, 24]
TOP_K_RATIO, MIN_TOKENS = 0.3, 128


def setup_inputs(seed: int = 0) -> dict:
    key = jax.random.key(seed)
    ks = jax.random.split(key, 10)
    sc = 0.02
    inp = {}
    inp['hidden_states'] = jax.random.normal(ks[0], (B, S, D_MODEL), dtype=jnp.float32)
    inp['cos'] = jax.random.uniform(ks[1], (3, B, S, D_H), dtype=jnp.float32)
    inp['sin'] = jax.random.uniform(ks[2], (3, B, S, D_H), dtype=jnp.float32)
    inp['Wq'] = jax.random.normal(ks[3], (D_MODEL, H * D_H), dtype=jnp.float32) * sc
    inp['bq'] = jnp.zeros((H * D_H,), dtype=jnp.float32)
    inp['Wk'] = jax.random.normal(ks[4], (D_MODEL, H_KV * D_H), dtype=jnp.float32) * sc
    inp['bk'] = jnp.zeros((H_KV * D_H,), dtype=jnp.float32)
    inp['Wv'] = jax.random.normal(ks[5], (D_MODEL, H_KV * D_H), dtype=jnp.float32) * sc
    inp['bv'] = jnp.zeros((H_KV * D_H,), dtype=jnp.float32)
    inp['Wo'] = jax.random.normal(ks[6], (H * D_H, D_MODEL), dtype=jnp.float32) * sc
    return inp


def rotate_half(x):
    h = x.shape[-1] // 2
    return jnp.concatenate([-x[..., h:], x[..., :h]], axis=-1)


def apply_multimodal_rope(q, k, cos, sin):
    sections = MROPE * 2
    splits = np.cumsum(sections)[:-1]
    cos_c = jnp.concatenate([m[i % 3] for i, m in enumerate(jnp.split(cos, splits, axis=-1))], axis=-1)[:, None, :, :]
    sin_c = jnp.concatenate([m[i % 3] for i, m in enumerate(jnp.split(sin, splits, axis=-1))], axis=-1)[:, None, :, :]
    q_embed = q * cos_c + rotate_half(q) * sin_c
    k_embed = k * cos_c + rotate_half(k) * sin_c
    return q_embed, k_embed


def reference(hidden_states, cos, sin, Wq, bq, Wk, bk, Wv, bv, Wo):
    q = (hidden_states @ Wq + bq).reshape(B, S, H, D_H).transpose(0, 2, 1, 3)
    k = (hidden_states @ Wk + bk).reshape(B, S, H_KV, D_H).transpose(0, 2, 1, 3)
    v = (hidden_states @ Wv + bv).reshape(B, S, H_KV, D_H).transpose(0, 2, 1, 3)
    q, k = apply_multimodal_rope(q, k, cos, sin)
    n_rep = H // H_KV
    k = jnp.repeat(k, n_rep, axis=1)
    v = jnp.repeat(v, n_rep, axis=1)
    # compute_token_importance (method='attention_score')
    q_last = q[:, :, -1:, :]
    imp = jnp.einsum('bhqd,bhtd->bhqt', q_last, k)[:, :, 0, :].mean(axis=1)  # [B, T]
    ksel = min(max(MIN_TOKENS, int(S * TOP_K_RATIO)), S)
    _, idx = jax.lax.top_k(imp, ksel)
    idx = idx[0]  # matches indices.squeeze(0) with B=1
    k_sp = jnp.take(k, idx, axis=2)
    v_sp = jnp.take(v, idx, axis=2)
    # sparse_sdpa_attention
    scores = jnp.einsum('bhqd,bhtd->bhqt', q, k_sp) / np.sqrt(D_H)
    probs = jax.nn.softmax(scores, axis=-1)
    attn = jnp.einsum('bhqt,bhtd->bhqd', probs, v_sp)
    out = attn.transpose(0, 2, 1, 3).reshape(B, S, H * D_H)
    return out @ Wo

if __name__ == "__main__":
    import jax
    _d = setup_inputs()
    print(jax.jit(kernel)(*tuple(_d.values())))

</pallas_src>

<mosaic_0001>
#map = affine_map<(d0, d1) -> (0, 0)>
module attributes {stable_mosaic.version = 14 : i64} {
  func.func @_sc_scatter_body(%arg0: i32, %arg1: i32, %arg2: memref<32x128xi32, #tpu.memory_space<hbm>>, %arg3: memref<4096x256xi32, #tpu.memory_space<hbm>>, %arg4: memref<4096x256xi32, #tpu.memory_space<hbm>>, %arg5: memref<2x128xi32, #tpu.memory_space<vmem>>, %arg6: memref<256x256xi32, #tpu.memory_space<vmem>>, %arg7: memref<!tpu.dma_semaphore, #tpu.memory_space<semaphore_mem>>) attributes {dimension_semantics = [#tpu.dimension_semantics<core_parallel>, #tpu.dimension_semantics<subcore_parallel>], iteration_bounds = array<i64: 1, 16>, scalar_prefetch = 0 : i64, scratch_operands = 3 : i64, tpu.core_type = #tpu.core_type<sc_vector_subcore>, window_params = [{transform_indices = #map}, {transform_indices = #map}, {transform_indices = #map}]} {
    %mul3A = arith.constant 2 : i32
    %mul3A_0 = arith.muli %arg1, %mul3A : i32
    "tpu.region"() ({
      %run_scoped3A = tpu.sem_alloc : memref<!tpu.dma_semaphore, #tpu.memory_space<semaphore_mem>>
      %dma_start3A_41 = arith.constant 0 : i32
      %dma_start3A_42 = tpu.memref_slice %arg2[%mul3A_0, %dma_start3A_41] : memref<32x128xi32, #tpu.memory_space<hbm>> -> memref<2x128xi32, #tpu.memory_space<hbm>>
      %dma_start3A_43 = arith.constant 0 : i32
      %dma_start3A_44 = tpu.memref_slice %arg2[%mul3A_0, %dma_start3A_43] : memref<32x128xi32, #tpu.memory_space<hbm>> -> memref<2x128xi32, #tpu.memory_space<hbm>>
      tpu.enqueue_dma source(%dma_start3A_44 : memref<2x128xi32, #tpu.memory_space<hbm>>) target(%arg5 : memref<2x128xi32, #tpu.memory_space<vmem>>) target_semaphore(%run_scoped3A : memref<!tpu.dma_semaphore, #tpu.memory_space<semaphore_mem>>)
      %dma_wait3A_45 = arith.constant 0 : i32
      %dma_wait3A_46 = tpu.memref_slice %arg2[%mul3A_0, %dma_wait3A_45] : memref<32x128xi32, #tpu.memory_space<hbm>> -> memref<2x128xi32, #tpu.memory_space<hbm>>
      %dma_wait3A_47 = arith.constant 0 : i32
      %dma_wait3A_48 = tpu.memref_slice %arg2[%mul3A_0, %dma_wait3A_47] : memref<32x128xi32, #tpu.memory_space<hbm>> -> memref<2x128xi32, #tpu.memory_space<hbm>>
      tpu.wait_dma2 semaphore(%run_scoped3A : memref<!tpu.dma_semaphore, #tpu.memory_space<semaphore_mem>>) src(%dma_wait3A_48 : memref<2x128xi32, #tpu.memory_space<hbm>>) dst(%arg5 : memref<2x128xi32, #tpu.memory_space<vmem>>)
      tpu.yield
    }) : () -> ()
    %mul3A_1 = arith.constant 256 : i32
    %mul3A_2 = arith.muli %arg1, %mul3A_1 : i32
    "tpu.region"() ({
      %run_scoped3A = tpu.sem_alloc : memref<!tpu.dma_semaphore, #tpu.memory_space<semaphore_mem>>
      %dma_start3A_41 = arith.constant 0 : i32
      %dma_start3A_42 = tpu.memref_slice %arg3[%mul3A_2, %dma_start3A_41] : memref<4096x256xi32, #tpu.memory_space<hbm>> -> memref<256x256xi32, #tpu.memory_space<hbm>>
      %dma_start3A_43 = arith.constant 0 : i32
      %dma_start3A_44 = tpu.memref_slice %arg3[%mul3A_2, %dma_start3A_43] : memref<4096x256xi32, #tpu.memory_space<hbm>> -> memref<256x256xi32, #tpu.memory_space<hbm>>
      tpu.enqueue_dma source(%dma_start3A_44 : memref<256x256xi32, #tpu.memory_space<hbm>>) target(%arg6 : memref<256x256xi32, #tpu.memory_space<vmem>>) target_semaphore(%run_scoped3A : memref<!tpu.dma_semaphore, #tpu.memory_space<semaphore_mem>>)
      %dma_wait3A_45 = arith.constant 0 : i32
      %dma_wait3A_46 = tpu.memref_slice %arg3[%mul3A_2, %dma_wait3A_45] : memref<4096x256xi32, #tpu.memory_space<hbm>> -> memref<256x256xi32, #tpu.memory_space<hbm>>
      %dma_wait3A_47 = arith.constant 0 : i32
      %dma_wait3A_48 = tpu.memref_slice %arg3[%mul3A_2, %dma_wait3A_47] : memref<4096x256xi32, #tpu.memory_space<hbm>> -> memref<256x256xi32, #tpu.memory_space<hbm>>
      tpu.wait_dma2 semaphore(%run_scoped3A : memref<!tpu.dma_semaphore, #tpu.memory_space<semaphore_mem>>) src(%dma_wait3A_48 : memref<256x256xi32, #tpu.memory_space<hbm>>) dst(%arg6 : memref<256x256xi32, #tpu.memory_space<vmem>>)
      tpu.yield
    }) : () -> ()
    %dma_start3A = arith.constant 0 : i32
    %dma_start3A_3 = arith.constant 0 : i32
    %dma_start3A_4 = arith.constant 0 : i32
    %dma_start3A_5 = tpu.memref_slice %arg6[%dma_start3A_3, %dma_start3A_4] : memref<256x256xi32, #tpu.memory_space<vmem>> -> memref<128x256xi32, #tpu.memory_space<vmem>>
    %dma_start3A_6 = arith.constant 0 : i32
    %dma_start3A_7 = tpu.memref_slice %arg5[%dma_start3A, %dma_start3A_6] : memref<2x128xi32, #tpu.memory_space<vmem>> -> memref<1x128xi32, #tpu.memory_space<vmem>>
    %dma_start3A_8 = tpu.memref_squeeze %dma_start3A_7 : memref<1x128xi32, #tpu.memory_space<vmem>> -> memref<128xi32, #tpu.memory_space<vmem>>
    %dma_start3A_9 = arith.constant 0 : i32
    %dma_start3A_10 = arith.constant 0 : i32
    %dma_start3A_11 = tpu.memref_slice %arg4[%dma_start3A_9, %dma_start3A_10] : memref<4096x256xi32, #tpu.memory_space<hbm>> -> memref<4096x256xi32, #tpu.memory_space<hbm>>
    tpu.enqueue_indirect_dma source(%dma_start3A_5 : memref<128x256xi32, #tpu.memory_space<vmem>>) target(%dma_start3A_11 : memref<4096x256xi32, #tpu.memory_space<hbm>>) offsets(%dma_start3A_8 : memref<128xi32, #tpu.memory_space<vmem>>) semaphore(%arg7 : memref<!tpu.dma_semaphore, #tpu.memory_space<semaphore_mem>>)
    %dma_wait3A = arith.constant 0 : i32
    %dma_wait3A_12 = arith.constant 0 : i32
    %dma_wait3A_13 = arith.constant 0 : i32
    %dma_wait3A_14 = tpu.memref_slice %arg6[%dma_wait3A_12, %dma_wait3A_13] : memref<256x256xi32, #tpu.memory_space<vmem>> -> memref<128x256xi32, #tpu.memory_space<vmem>>
    %dma_wait3A_15 = arith.constant 0 : i32
    %dma_wait3A_16 = tpu.memref_slice %arg5[%dma_wait3A, %dma_wait3A_15] : memref<2x128xi32, #tpu.memory_space<vmem>> -> memref<1x128xi32, #tpu.memory_space<vmem>>
    %dma_wait3A_17 = tpu.memref_squeeze %dma_wait3A_16 : memref<1x128xi32, #tpu.memory_space<vmem>> -> memref<128xi32, #tpu.memory_space<vmem>>
    %dma_wait3A_18 = arith.constant 0 : i32
    %dma_wait3A_19 = arith.constant 0 : i32
    %dma_wait3A_20 = tpu.memref_slice %arg4[%dma_wait3A_18, %dma_wait3A_19] : memref<4096x256xi32, #tpu.memory_space<hbm>> -> memref<4096x256xi32, #tpu.memory_space<hbm>>
    tpu.wait_indirect_dma semaphore(%arg7 : memref<!tpu.dma_semaphore, #tpu.memory_space<semaphore_mem>>) src(%dma_wait3A_14 : memref<128x256xi32, #tpu.memory_space<vmem>>) dst(%dma_wait3A_20 : memref<4096x256xi32, #tpu.memory_space<hbm>>)
    %dma_start3A_21 = arith.constant 1 : i32
    %dma_start3A_22 = arith.constant 128 : i32
    %dma_start3A_23 = arith.constant 0 : i32
    %dma_start3A_24 = tpu.memref_slice %arg6[%dma_start3A_22, %dma_start3A_23] : memref<256x256xi32, #tpu.memory_space<vmem>> -> memref<128x256xi32, #tpu.memory_space<vmem>>
    %dma_start3A_25 = arith.constant 0 : i32
    %dma_start3A_26 = tpu.memref_slice %arg5[%dma_start3A_21, %dma_start3A_25] : memref<2x128xi32, #tpu.memory_space<vmem>> -> memref<1x128xi32, #tpu.memory_space<vmem>>
    %dma_start3A_27 = tpu.memref_squeeze %dma_start3A_26 : memref<1x128xi32, #tpu.memory_space<vmem>> -> memref<128xi32, #tpu.memory_space<vmem>>
    %dma_start3A_28 = arith.constant 0 : i32
    %dma_start3A_29 = arith.constant 0 : i32
    %dma_start3A_30 = tpu.memref_slice %arg4[%dma_start3A_28, %dma_start3A_29] : memref<4096x256xi32, #tpu.memory_space<hbm>> -> memref<4096x256xi32, #tpu.memory_space<hbm>>
    tpu.enqueue_indirect_dma source(%dma_start3A_24 : memref<128x256xi32, #tpu.memory_space<vmem>>) target(%dma_start3A_30 : memref<4096x256xi32, #tpu.memory_space<hbm>>) offsets(%dma_start3A_27 : memref<128xi32, #tpu.memory_space<vmem>>) semaphore(%arg7 : memref<!tpu.dma_semaphore, #tpu.memory_space<semaphore_mem>>)
    %dma_wait3A_31 = arith.constant 1 : i32
    %dma_wait3A_32 = arith.constant 128 : i32
    %dma_wait3A_33 = arith.constant 0 : i32
    %dma_wait3A_34 = tpu.memref_slice %arg6[%dma_wait3A_32, %dma_wait3A_33] : memref<256x256xi32, #tpu.memory_space<vmem>> -> memref<128x256xi32, #tpu.memory_space<vmem>>
    %dma_wait3A_35 = arith.constant 0 : i32
    %dma_wait3A_36 = tpu.memref_slice %arg5[%dma_wait3A_31, %dma_wait3A_35] : memref<2x128xi32, #tpu.memory_space<vmem>> -> memref<1x128xi32, #tpu.memory_space<vmem>>
    %dma_wait3A_37 = tpu.memref_squeeze %dma_wait3A_36 : memref<1x128xi32, #tpu.memory_space<vmem>> -> memref<128xi32, #tpu.memory_space<vmem>>
    %dma_wait3A_38 = arith.constant 0 : i32
    %dma_wait3A_39 = arith.constant 0 : i32
    %dma_wait3A_40 = tpu.memref_slice %arg4[%dma_wait3A_38, %dma_wait3A_39] : memref<4096x256xi32, #tpu.memory_space<hbm>> -> memref<4096x256xi32, #tpu.memory_space<hbm>>
    tpu.wait_indirect_dma semaphore(%arg7 : memref<!tpu.dma_semaphore, #tpu.memory_space<semaphore_mem>>) src(%dma_wait3A_34 : memref<128x256xi32, #tpu.memory_space<vmem>>) dst(%dma_wait3A_40 : memref<4096x256xi32, #tpu.memory_space<hbm>>)
    return
  }
}

module attributes {stable_mosaic.version = 14 : i64} {
  func.func @_proj_body(%arg0: i32, %arg1: memref<512x2048xf32, #tpu.memory_space<vmem>>, %arg2: memref<2048x2048xbf16, #tpu.memory_space<vmem>>, %arg3: memref<2048x512xbf16, #tpu.memory_space<vmem>>, %arg4: memref<8x2560xf32, #tpu.memory_space<vmem>>, %arg5: memref<512x128xf32, #tpu.memory_space<vmem>>, %arg6: memref<512x128xf32, #tpu.memory_space<vmem>>, %arg7: memref<512x2048xbf16, #tpu.memory_space<vmem>>, %arg8: memref<512x512xbf16, #tpu.memory_space<vmem>>) attributes {dimension_semantics = [#tpu.dimension_semantics<arbitrary>], iteration_bounds = array<i64: 8>, scalar_prefetch = 0 : i64, scratch_operands = 0 : i64, tpu.core_type = #tpu.core_type<tc>, window_params = [{transform_indices = @transform_0, window_bounds = array<i64: 512, 2048>}, {pipeline_mode = #tpu.pipeline_mode<synchronous>, transform_indices = @transform_1, window_bounds = array<i64: 2048, 2048>}, {pipeline_mode = #tpu.pipeline_mode<synchronous>, transform_indices = @transform_2, window_bounds = array<i64: 2048, 512>}, {pipeline_mode = #tpu.pipeline_mode<synchronous>, transform_indices = @transform_3, window_bounds = array<i64: 8, 2560>}, {transform_indices = @transform_4, window_bounds = array<i64: 512, 128>}, {transform_indices = @transform_5, window_bounds = array<i64: 512, 128>}, {transform_indices = @transform_6, window_bounds = array<i64: 512, 2048>}, {transform_indices = @transform_7, window_bounds = array<i64: 512, 512>}]} {
    %get3A = arith.constant 0 : index
    %get3A_0 = arith.constant 0 : index
    %get3A_1 = vector.load %arg1[%get3A, %get3A_0] : memref<512x2048xf32, #tpu.memory_space<vmem>>, vector<512x2048xf32>
    %convert_element_type3A = arith.truncf %get3A_1 : vector<512x2048xf32> to vector<512x2048xbf16>
    %get3A_2 = arith.constant 0 : index
    %get3A_3 = arith.constant 0 : index
    %get3A_4 = vector.load %arg2[%get3A_2, %get3A_3] : memref<2048x2048xbf16, #tpu.memory_space<vmem>>, vector<2048x2048xbf16>
    %dot_general3A = arith.constant dense<0.000000e+00> : vector<512x2048xf32>
    %dot_general3A_5 = tpu.matmul %convert_element_type3A, %get3A_4, %dot_general3A {dimension_numbers = #tpu.dot_dimension_numbers<[1], [0], [0], [1], [0, 0, 1, 1], [], []>, transpose_lhs_hint = false} : vector<512x2048xbf16>, vector<2048x2048xbf16>, vector<512x2048xf32> -> vector<512x2048xf32>
    %get3A_6 = arith.constant 0 : index
    %get3A_7 = arith.constant 0 : index
    %get3A_8 = vector.load %arg4[%get3A_6, %get3A_7] : memref<8x2560xf32, #tpu.memory_space<vmem>>, vector<1x2048xf32>
    %add3A = vector.broadcast %get3A_8 : vector<1x2048xf32> to vector<512x2048xf32>
    %add3A_9 = arith.addf %dot_general3A_5, %add3A : vector<512x2048xf32>
    %get3A_10 = arith.constant 0 : index
    %get3A_11 = arith.constant 0 : index
    %get3A_12 = vector.load %arg3[%get3A_10, %get3A_11] : memref<2048x512xbf16, #tpu.memory_space<vmem>>, vector<2048x512xbf16>
    %dot_general3A_13 = arith.constant dense<0.000000e+00> : vector<512x512xf32>
    %dot_general3A_14 = tpu.matmul %convert_element_type3A, %get3A_12, %dot_general3A_13 {dimension_numbers = #tpu.dot_dimension_numbers<[1], [0], [0], [1], [0, 0, 1, 1], [], []>, transpose_lhs_hint = false} : vector<512x2048xbf16>, vector<2048x512xbf16>, vector<512x512xf32> -> vector<512x512xf32>
    %get3A_15 = arith.constant 0 : index
    %get3A_16 = arith.constant 2048 : index
    %get3A_17 = vector.load %arg4[%get3A_15, %get3A_16] : memref<8x2560xf32, #tpu.memory_space<vmem>>, vector<1x512xf32>
    %add3A_18 = vector.broadcast %get3A_17 : vector<1x512xf32> to vector<512x512xf32>
    %add3A_19 = arith.addf %dot_general3A_14, %add3A_18 : vector<512x512xf32>
    %get3A_20 = arith.constant 0 : index
    %get3A_21 = arith.constant 0 : index
    %get3A_22 = vector.load %arg5[%get3A_20, %get3A_21] : memref<512x128xf32, #tpu.memory_space<vmem>>, vector<512x128xf32>
    %get3A_23 = arith.constant 0 : index
    %get3A_24 = arith.constant 0 : index
    %get3A_25 = vector.load %arg6[%get3A_23, %get3A_24] : memref<512x128xf32, #tpu.memory_space<vmem>>, vector<512x128xf32>
    %slice3A = vector.extract_strided_slice %add3A_9 {offsets = [0, 0], sizes = [512, 128], strides = [1, 1]} : vector<512x2048xf32> to vector<512x128xf32>
    %slice3A_26 = vector.extract_strided_slice %slice3A {offsets = [0, 64], sizes = [512, 64], strides = [1, 1]} : vector<512x128xf32> to vector<512x64xf32>
    %neg3A = arith.constant 0.000000e+00 : f32
    %neg3A_27 = vector.broadcast %neg3A : f32 to vector<512x64xf32>
    %neg3A_28 = arith.subf %neg3A_27, %slice3A_26 : vector<512x64xf32>
    %slice3A_29 = vector.extract_strided_slice %slice3A {offsets = [0, 0], sizes = [512, 64], strides = [1, 1]} : vector<512x128xf32> to vector<512x64xf32>
    %concatenate3A = tpu.concatenate %neg3A_28, %slice3A_29 in 1 : vector<512x64xf32>, vector<512x64xf32> -> vector<512x128xf32>
    %mul3A = arith.mulf %slice3A, %get3A_22 : vector<512x128xf32>
    %mul3A_30 = arith.mulf %concatenate3A, %get3A_25 : vector<512x128xf32>
    %add3A_31 = arith.addf %mul3A, %mul3A_30 : vector<512x128xf32>
    %convert_element_type3A_32 = arith.truncf %add3A_31 : vector<512x128xf32> to vector<512x128xbf16>
    %swap3A = arith.constant 0 : index
    %swap3A_33 = arith.constant 0 : index
    %swap3A_34 = vector.load %arg7[%swap3A, %swap3A_33] : memref<512x2048xbf16, #tpu.memory_space<vmem>>, vector<512x128xbf16>
    tpu.vector_store %arg7[%swap3A, %swap3A_33], %convert_element_type3A_32 {strides = array<i32>} : memref<512x2048xbf16, #tpu.memory_space<vmem>>, vector<512x128xbf16>,
    %slice3A_35 = vector.extract_strided_slice %add3A_9 {offsets = [0, 128], sizes = [512, 128], strides = [1, 1]} : vector<512x2048xf32> to vector<512x128xf32>
    %slice3A_36 = vector.extract_strided_slice %slice3A_35 {offsets = [0, 64], sizes = [512, 64], strides = [1, 1]} : vector<512x128xf32> to vector<512x64xf32>
    %neg3A_37 = arith.constant 0.000000e+00 : f32
    %neg3A_38 = vector.broadcast %neg3A_37 : f32 to vector<512x64xf32>
    %neg3A_39 = arith.subf %neg3A_38, %slice3A_36 : vector<512x64xf32>
    %slice3A_40 = vector.extract_strided_slice %slice3A_35 {offsets = [0, 0], sizes = [512, 64], strides = [1, 1]} : vector<512x128xf32> to vector<512x64xf32>
    %concatenate3A_41 = tpu.concatenate %neg3A_39, %slice3A_40 in 1 : vector<512x64xf32>, vector<512x64xf32> -> vector<512x128xf32>
    %mul3A_42 = arith.mulf %slice3A_35, %get3A_22 : vector<512x128xf32>
    %mul3A_43 = arith.mulf %concatenate3A_41, %get3A_25 : vector<512x128xf32>
    %add3A_44 = arith.addf %mul3A_42, %mul3A_43 : vector<512x128xf32>
    %convert_element_type3A_45 = arith.truncf %add3A_44 : vector<512x128xf32> to vector<512x128xbf16>
    %swap3A_46 = arith.constant 0 : index
    %swap3A_47 = arith.constant 128 : index
    %swap3A_48 = vector.load %arg7[%swap3A_46, %swap3A_47] : memref<512x2048xbf16, #tpu.memory_space<vmem>>, vector<512x128xbf16>
    tpu.vector_store %arg7[%swap3A_46, %swap3A_47], %convert_element_type3A_45 {strides = array<i32>} : memref<512x2048xbf16, #tpu.memory_space<vmem>>, vector<512x128xbf16>,
    %slice3A_49 = vector.extract_strided_slice %add3A_9 {offsets = [0, 256], sizes = [512, 128], strides = [1, 1]} : vector<512x2048xf32> to vector<512x128xf32>
    %slice3A_50 = vector.extract_strided_slice %slice3A_49 {offsets = [0, 64], sizes = [512, 64], strides = [1, 1]} : vector<512x128xf32> to vector<512x64xf32>
    %neg3A_51 = arith.constant 0.000000e+00 : f32
    %neg3A_52 = vector.broadcast %neg3A_51 : f32 to vector<512x64xf32>
    %neg3A_53 = arith.subf %neg3A_52, %slice3A_50 : vector<512x64xf32>
    %slice3A_54 = vector.extract_strided_slice %slice3A_49 {offsets = [0, 0], sizes = [512, 64], strides = [1, 1]} : vector<512x128xf32> to vector<512x64xf32>
    %concatenate3A_55 = tpu.concatenate %neg3A_53, %slice3A_54 in 1 : vector<512x64xf32>, vector<512x64xf32> -> vector<512x128xf32>
    %mul3A_56 = arith.mulf %slice3A_49, %get3A_22 : vector<512x128xf32>
    %mul3A_57 = arith.mulf %concatenate3A_55, %get3A_25 : vector<512x128xf32>
    %add3A_58 = arith.addf %mul3A_56, %mul3A_57 : vector<512x128xf32>
    %convert_element_type3A_59 = arith.truncf %add3A_58 : vector<512x128xf32> to vector<512x128xbf16>
    %swap3A_60 = arith.constant 0 : index
    %swap3A_61 = arith.constant 256 : index
    %swap3A_62 = vector.load %arg7[%swap3A_60, %swap3A_61] : memref<512x2048xbf16, #tpu.memory_space<vmem>>, vector<512x128xbf16>
    tpu.vector_store %arg7[%swap3A_60, %swap3A_61], %convert_element_type3A_59 {strides = array<i32>} : memref<512x2048xbf16, #tpu.memory_space<vmem>>, vector<512x128xbf16>,
    %slice3A_63 = vector.extract_strided_slice %add3A_9 {offsets = [0, 384], sizes = [512, 128], strides = [1, 1]} : vector<512x2048xf32> to vector<512x128xf32>
    %slice3A_64 = vector.extract_strided_slice %slice3A_63 {offsets = [0, 64], sizes = [512, 64], strides = [1, 1]} : vector<512x128xf32> to vector<512x64xf32>
    %neg3A_65 = arith.constant 0.000000e+00 : f32
    %neg3A_66 = vector.broadcast %neg3A_65 : f32 to vector<512x64xf32>
    %neg3A_67 = arith.subf %neg3A_66, %slice3A_64 : vector<512x64xf32>
    %slice3A_68 = vector.extract_strided_slice %slice3A_63 {offsets = [0, 0], sizes = [512, 64], strides = [1, 1]} : vector<512x128xf32> to vector<512x64xf32>
    %concatenate3A_69 = tpu.concatenate %neg3A_67, %slice3A_68 in 1 : vector<512x64xf32>, vector<512x64xf32> -> vector<512x128xf32>
    %mul3A_70 = arith.mulf %slice3A_63, %get3A_22 : vector<512x128xf32>
    %mul3A_71 = arith.mulf %concatenate3A_69, %get3A_25 : vector<512x128xf32>
    %add3A_72 = arith.addf %mul3A_70, %mul3A_71 : vector<512x128xf32>
    %convert_element_type3A_73 = arith.truncf %add3A_72 : vector<512x128xf32> to vector<512x128xbf16>
    %swap3A_74 = arith.constant 0 : index
    %swap3A_75 = arith.constant 384 : index
    %swap3A_76 = vector.load %arg7[%swap3A_74, %swap3A_75] : memref<512x2048xbf16, #tpu.memory_space<vmem>>, vector<512x128xbf16>
    tpu.vector_store %arg7[%swap3A_74, %swap3A_75], %convert_element_type3A_73 {strides = array<i32>} : memref<512x2048xbf16, #tpu.memory_space<vmem>>, vector<512x128xbf16>,
    %slice3A_77 = vector.extract_strided_slice %add3A_9 {offsets = [0, 512], sizes = [512, 128], strides = [1, 1]} : vector<512x2048xf32> to vector<512x128xf32>
    %slice3A_78 = vector.extract_strided_slice %slice3A_77 {offsets = [0, 64], sizes = [512, 64], strides = [1, 1]} : vector<512x128xf32> to vector<512x64xf32>
    %neg3A_79 = arith.constant 0.000000e+00 : f32
    %neg3A_80 = vector.broadcast %neg3A_79 : f32 to vector<512x64xf32>
    %neg3A_81 = arith.subf %neg3A_80, %slice3A_78 : vector<512x64xf32>
    %slice3A_82 = vector.extract_strided_slice %slice3A_77 {offsets = [0, 0], sizes = [512, 64], strides = [1, 1]} : vector<512x128xf32> to vector<512x64xf32>
    %concatenate3A_83 = tpu.concatenate %neg3A_81, %slice3A_82 in 1 : vector<512x64xf32>, vector<512x64xf32> -> vector<512x128xf32>
    %mul3A_84 = arith.mulf %slice3A_77, %get3A_22 : vector<512x128xf32>
    %mul3A_85 = arith.mulf %concatenate3A_83, %get3A_25 : vector<512x128xf32>
    %add3A_86 = arith.addf %mul3A_84, %mul3A_85 : vector<512x128xf32>
    %convert_element_type3A_87 = arith.truncf %add3A_86 : vector<512x128xf32> to vector<512x128xbf16>
    %swap3A_88 = arith.constant 0 : index
    %swap3A_89 = arith.constant 512 : index
    %swap3A_90 = vector.load %arg7[%swap3A_88, %swap3A_89] : memref<512x2048xbf16, #tpu.memory_space<vmem>>, vector<512x128xbf16>
    tpu.vector_store %arg7[%swap3A_88, %swap3A_89], %convert_element_type3A_87 {strides = array<i32>} : memref<512x2048xbf16, #tpu.memory_space<vmem>>, vector<512x128xbf16>,
    %slice3A_91 = vector.extract_strided_slice %add3A_9 {offsets = [0, 640], sizes = [512, 128], strides = [1, 1]} : vector<512x2048xf32> to vector<512x128xf32>
    %slice3A_92 = vector.extract_strided_slice %slice3A_91 {offsets = [0, 64], sizes = [512, 64], strides = [1, 1]} : vector<512x128xf32> to vector<512x64xf32>
    %neg3A_93 = arith.constant 0.000000e+00 : f32
    %neg3A_94 = vector.broadcast %neg3A_93 : f32 to vector<512x64xf32>
    %neg3A_95 = arith.subf %neg3A_94, %slice3A_92 : vector<512x64xf32>
    %slice3A_96 = vector.extract_strided_slice %slice3A_91 {offsets = [0, 0], sizes = [512, 64], strides = [1, 1]} : vector<512x128xf32> to vector<512x64xf32>
    %concatenate3A_97 = tpu.concatenate %neg3A_95, %slice3A_96 in 1 : vector<512x64xf32>, vector<512x64xf32> -> vector<512x128xf32>
    %mul3A_98 = arith.mulf %slice3A_91, %get3A_22 : vector<512x128xf32>
    %mul3A_99 = arith.mulf %concatenate3A_97, %get3A_25 : vector<512x128xf32>
    %add3A_100 = arith.addf %mul3A_98, %mul3A_99 : vector<512x128xf32>
    %convert_element_type3A_101 = arith.truncf %add3A_100 : vector<512x128xf32> to vector<512x128xbf16>
    %swap3A_102 = arith.constant 0 : index
    %swap3A_103 = arith.constant 640 : index
    %swap3A_104 = vector.load %arg7[%swap3A_102, %swap3A_103] : memref<512x2048xbf16, #tpu.memory_space<vmem>>, vector<512x128xbf16>
    tpu.vector_store %arg7[%swap3A_102, %swap3A_103], %convert_element_type3A_101 {strides = array<i32>} : memref<512x2048xbf16, #tpu.memory_space<vmem>>, vector<512x128xbf16>,
    %slice3A_105 = vector.extract_strided_slice %add3A_9 {offsets = [0, 768], sizes = [512, 128], strides = [1, 1]} : vector<512x2048xf32> to vector<512x128xf32>
    %slice3A_106 = vector.extract_strided_slice %slice3A_105 {offsets = [0, 64], sizes = [512, 64], strides = [1, 1]} : vector<512x128xf32> to vector<512x64xf32>
    %neg3A_107 = arith.constant 0.000000e+00 : f32
    %neg3A_108 = vector.broadcast %neg3A_107 : f32 to vector<512x64xf32>
    %neg3A_109 = arith.subf %neg3A_108, %slice3A_106 : vector<512x64xf32>
    %slice3A_110 = vector.extract_strided_slice %slice3A_105 {offsets = [0, 0], sizes = [512, 64], strides = [1, 1]} : vector<512x128xf32> to vector<512x64xf32>
    %concatenate3A_111 = tpu.concatenate %neg3A_109, %slice3A_110 in 1 : vector<512x64xf32>, vector<512x64xf32> -> vector<512x128xf32>
    %mul3A_112 = arith.mulf %slice3A_105, %get3A_22 : vector<512x128xf32>
    %mul3A_113 = arith.mulf %concatenate3A_111, %get3A_25 : vector<512x128xf32>
    %add3A_114 = arith.addf %mul3A_112, %mul3A_113 : vector<512x128xf32>
    %convert_element_type3A_115 = arith.truncf %add3A_114 : vector<512x128xf32> to vector<512x128xbf16>
    %swap3A_116 = arith.constant 0 : index
    %swap3A_117 = arith.constant 768 : index
    %swap3A_118 = vector.load %arg7[%swap3A_116, %swap3A_117] : memref<512x2048xbf16, #tpu.memory_space<vmem>>, vector<512x128xbf16>
    tpu.vector_store %arg7[%swap3A_116, %swap3A_117], %convert_element_type3A_115 {strides = array<i32>} : memref<512x2048xbf16, #tpu.memory_space<vmem>>, vector<512x128xbf16>,
    %slice3A_119 = vector.extract_strided_slice %add3A_9 {offsets = [0, 896], sizes = [512, 128], strides = [1, 1]} : vector<512x2048xf32> to vector<512x128xf32>
    %slice3A_120 = vector.extract_strided_slice %slice3A_119 {offsets = [0, 64], sizes = [512, 64], strides = [1, 1]} : vector<512x128xf32> to vector<512x64xf32>
    %neg3A_121 = arith.constant 0.000000e+00 : f32
    %neg3A_122 = vector.broadcast %neg3A_121 : f32 to vector<512x64xf32>
    %neg3A_123 = arith.subf %neg3A_122, %slice3A_120 : vector<512x64xf32>
    %slice3A_124 = vector.extract_strided_slice %slice3A_119 {offsets = [0, 0], sizes = [512, 64], strides = [1, 1]} : vector<512x128xf32> to vector<512x64xf32>
    %concatenate3A_125 = tpu.concatenate %neg3A_123, %slice3A_124 in 1 : vector<512x64xf32>, vector<512x64xf32> -> vector<512x128xf32>
    %mul3A_126 = arith.mulf %slice3A_119, %get3A_22 : vector<512x128xf32>
    %mul3A_127 = arith.mulf %concatenate3A_125, %get3A_25 : vector<512x128xf32>
    %add3A_128 = arith.addf %mul3A_126, %mul3A_127 : vector<512x128xf32>
    %convert_element_type3A_129 = arith.truncf %add3A_128 : vector<512x128xf32> to vector<512x128xbf16>
    %swap3A_130 = arith.constant 0 : index
    %swap3A_131 = arith.constant 896 : index
    %swap3A_132 = vector.load %arg7[%swap3A_130, %swap3A_131] : memref<512x2048xbf16, #tpu.memory_space<vmem>>, vector<512x128xbf16>
    tpu.vector_store %arg7[%swap3A_130, %swap3A_131], %convert_element_type3A_129 {strides = array<i32>} : memref<512x2048xbf16, #tpu.memory_space<vmem>>, vector<512x128xbf16>,
    %slice3A_133 = vector.extract_strided_slice %add3A_9 {offsets = [0, 1024], sizes = [512, 128], strides = [1, 1]} : vector<512x2048xf32> to vector<512x128xf32>
    %slice3A_134 = vector.extract_strided_slice %slice3A_133 {offsets = [0, 64], sizes = [512, 64], strides = [1, 1]} : vector<512x128xf32> to vector<512x64xf32>
    %neg3A_135 = arith.constant 0.000000e+00 : f32
    %neg3A_136 = vector.broadcast %neg3A_135 : f32 to vector<512x64xf32>
    %neg3A_137 = arith.subf %neg3A_136, %slice3A_134 : vector<512x64xf32>
    %slice3A_138 = vector.extract_strided_slice %slice3A_133 {offsets = [0, 0], sizes = [512, 64], strides = [1, 1]} : vector<512x128xf32> to vector<512x64xf32>
    %concatenate3A_139 = tpu.concatenate %neg3A_137, %slice3A_138 in 1 : vector<512x64xf32>, vector<512x64xf32> -> vector<512x128xf32>
    %mul3A_140 = arith.mulf %slice3A_133, %get3A_22 : vector<512x128xf32>
    %mul3A_141 = arith.mulf %concatenate3A_139, %get3A_25 : vector<512x128xf32>
    %add3A_142 = arith.addf %mul3A_140, %mul3A_141 : vector<512x128xf32>
    %convert_element_type3A_143 = arith.truncf %add3A_142 : vector<512x128xf32> to vector<512x128xbf16>
    %swap3A_144 = arith.constant 0 : index
    %swap3A_145 = arith.constant 1024 : index
    %swap3A_146 = vector.load %arg7[%swap3A_144, %swap3A_145] : memref<512x2048xbf16, #tpu.memory_space<vmem>>, vector<512x128xbf16>
    tpu.vector_store %arg7[%swap3A_144, %swap3A_145], %convert_element_type3A_143 {strides = array<i32>} : memref<512x2048xbf16, #tpu.memory_space<vmem>>, vector<512x128xbf16>,
    %slice3A_147 = vector.extract_strided_slice %add3A_9 {offsets = [0, 1152], sizes = [512, 128], strides = [1, 1]} : vector<512x2048xf32> to vector<512x128xf32>
    %slice3A_148 = vector.extract_strided_slice %slice3A_147 {offsets = [0, 64], sizes = [512, 64], strides = [1, 1]} : vector<512x128xf32> to vector<512x64xf32>
    %neg3A_149 = arith.constant 0.000000e+00 : f32
    %neg3A_150 = vector.broadcast %neg3A_149 : f32 to vector<512x64xf32>
    %neg3A_151 = arith.subf %neg3A_150, %slice3A_148 : vector<512x64xf32>
    %slice3A_152 = vector.extract_strided_slice %slice3A_147 {offsets = [0, 0], sizes = [512, 64], strides = [1, 1]} : vector<512x128xf32> to vector<512x64xf32>
    %concatenate3A_153 = tpu.concatenate %neg3A_151, %slice3A_152 in 1 : vector<512x64xf32>, vector<512x64xf32> -> vector<512x128xf32>
    %mul3A_154 = arith.mulf %slice3A_147, %get3A_22 : vector<512x128xf32>
    %mul3A_155 = arith.mulf %concatenate3A_153, %get3A_25 : vector<512x128xf32>
    %add3A_156 = arith.addf %mul3A_154, %mul3A_155 : vector<512x128xf32>
    %convert_element_type3A_157 = arith.truncf %add3A_156 : vector<512x128xf32> to vector<512x128xbf16>
    %swap3A_158 = arith.constant 0 : index
    %swap3A_159 = arith.constant 1152 : index
    %swap3A_160 = vector.load %arg7[%swap3A_158, %swap3A_159] : memref<512x2048xbf16, #tpu.memory_space<vmem>>, vector<512x128xbf16>
    tpu.vector_store %arg7[%swap3A_158, %swap3A_159], %convert_element_type3A_157 {strides = array<i32>} : memref<512x2048xbf16, #tpu.memory_space<vmem>>, vector<512x128xbf16>,
    %slice3A_161 = vector.extract_strided_slice %add3A_9 {offsets = [0, 1280], sizes = [512, 128], strides = [1, 1]} : vector<512x2048xf32> to vector<512x128xf32>
    %slice3A_162 = vector.extract_strided_slice %slice3A_161 {offsets = [0, 64], sizes = [512, 64], strides = [1, 1]} : vector<512x128xf32> to vector<512x64xf32>
    %neg3A_163 = arith.constant 0.000000e+00 : f32
    %neg3A_164 = vector.broadcast %neg3A_163 : f32 to vector<512x64xf32>
    %neg3A_165 = arith.subf %neg3A_164, %slice3A_162 : vector<512x64xf32>
    %slice3A_166 = vector.extract_strided_slice %slice3A_161 {offsets = [0, 0], sizes = [512, 64], strides = [1, 1]} : vector<512x128xf32> to vector<512x64xf32>
    %concatenate3A_167 = tpu.concatenate %neg3A_165, %slice3A_166 in 1 : vector<512x64xf32>, vector<512x64xf32> -> vector<512x128xf32>
    %mul3A_168 = arith.mulf %slice3A_161, %get3A_22 : vector<512x128xf32>
    %mul3A_169 = arith.mulf %concatenate3A_167, %get3A_25 : vector<512x128xf32>
    %add3A_170 = arith.addf %mul3A_168, %mul3A_169 : vector<512x128xf32>
    %convert_element_type3A_171 = arith.truncf %add3A_170 : vector<512x128xf32> to vector<512x128xbf16>
    %swap3A_172 = arith.constant 0 : index
    %swap3A_173 = arith.constant 1280 : index
    %swap3A_174 = vector.load %arg7[%swap3A_172, %swap3A_173] : memref<512x2048xbf16, #tpu.memory_space<vmem>>, vector<512x128xbf16>
    tpu.vector_store %arg7[%swap3A_172, %swap3A_173], %convert_element_type3A_171 {strides = array<i32>} : memref<512x2048xbf16, #tpu.memory_space<vmem>>, vector<512x128xbf16>,
    %slice3A_175 = vector.extract_strided_slice %add3A_9 {offsets = [0, 1408], sizes = [512, 128], strides = [1, 1]} : vector<512x2048xf32> to vector<512x128xf32>
    %slice3A_176 = vector.extract_strided_slice %slice3A_175 {offsets = [0, 64], sizes = [512, 64], strides = [1, 1]} : vector<512x128xf32> to vector<512x64xf32>
    %neg3A_177 = arith.constant 0.000000e+00 : f32
    %neg3A_178 = vector.broadcast %neg3A_177 : f32 to vector<512x64xf32>
    %neg3A_179 = arith.subf %neg3A_178, %slice3A_176 : vector<512x64xf32>
    %slice3A_180 = vector.extract_strided_slice %slice3A_175 {offsets = [0, 0], sizes = [512, 64], strides = [1, 1]} : vector<512x128xf32> to vector<512x64xf32>
    %concatenate3A_181 = tpu.concatenate %neg3A_179, %slice3A_180 in 1 : vector<512x64xf32>, vector<512x64xf32> -> vector<512x128xf32>
    %mul3A_182 = arith.mulf %slice3A_175, %get3A_22 : vector<512x128xf32>
    %mul3A_183 = arith.mulf %concatenate3A_181, %get3A_25 : vector<512x128xf32>
    %add3A_184 = arith.addf %mul3A_182, %mul3A_183 : vector<512x128xf32>
    %convert_element_type3A_185 = arith.truncf %add3A_184 : vector<512x128xf32> to vector<512x128xbf16>
    %swap3A_186 = arith.constant 0 : index
    %swap3A_187 = arith.constant 1408 : index
    %swap3A_188 = vector.load %arg7[%swap3A_186, %swap3A_187] : memref<512x2048xbf16, #tpu.memory_space<vmem>>, vector<512x128xbf16>
    tpu.vector_store %arg7[%swap3A_186, %swap3A_187], %convert_element_type3A_185 {strides = array<i32>} : memref<512x2048xbf16, #tpu.memory_space<vmem>>, vector<512x128xbf16>,
    %slice3A_189 = vector.extract_strided_slice %add3A_9 {offsets = [0, 1536], sizes = [512, 128], strides = [1, 1]} : vector<512x2048xf32> to vector<512x128xf32>
    %slice3A_190 = vector.extract_strided_slice %slice3A_189 {offsets = [0, 64], sizes = [512, 64], strides = [1, 1]} : vector<512x128xf32> to vector<512x64xf32>
    %neg3A_191 = arith.constant 0.000000e+00 : f32
    %neg3A_192 = vector.broadcast %neg3A_191 : f32 to vector<512x64xf32>
    %neg3A_193 = arith.subf %neg3A_192, %slice3A_190 : vector<512x64xf32>
    %slice3A_194 = vector.extract_strided_slice %slice3A_189 {offsets = [0, 0], sizes = [512, 64], strides = [1, 1]} : vector<512x128xf32> to vector<512x64xf32>
    %concatenate3A_195 = tpu.concatenate %neg3A_193, %slice3A_194 in 1 : vector<512x64xf32>, vector<512x64xf32> -> vector<512x128xf32>
    %mul3A_196 = arith.mulf %slice3A_189, %get3A_22 : vector<512x128xf32>
    %mul3A_197 = arith.mulf %concatenate3A_195, %get3A_25 : vector<512x128xf32>
    %add3A_198 = arith.addf %mul3A_196, %mul3A_197 : vector<512x128xf32>
    %convert_element_type3A_199 = arith.truncf %add3A_198 : vector<512x128xf32> to vector<512x128xbf16>
    %swap3A_200 = arith.constant 0 : index
    %swap3A_201 = arith.constant 1536 : index
    %swap3A_202 = vector.load %arg7[%swap3A_200, %swap3A_201] : memref<512x2048xbf16, #tpu.memory_space<vmem>>, vector<512x128xbf16>
    tpu.vector_store %arg7[%swap3A_200, %swap3A_201], %convert_element_type3A_199 {strides = array<i32>} : memref<512x2048xbf16, #tpu.memory_space<vmem>>, vector<512x128xbf16>,
    %slice3A_203 = vector.extract_strided_slice %add3A_9 {offsets = [0, 1664], sizes = [512, 128], strides = [1, 1]} : vector<512x2048xf32> to vector<512x128xf32>
    %slice3A_204 = vector.extract_strided_slice %slice3A_203 {offsets = [0, 64], sizes = [512, 64], strides = [1, 1]} : vector<512x128xf32> to vector<512x64xf32>
    %neg3A_205 = arith.constant 0.000000e+00 : f32
    %neg3A_206 = vector.broadcast %neg3A_205 : f32 to vector<512x64xf32>
    %neg3A_207 = arith.subf %neg3A_206, %slice3A_204 : vector<512x64xf32>
    %slice3A_208 = vector.extract_strided_slice %slice3A_203 {offsets = [0, 0], sizes = [512, 64], strides = [1, 1]} : vector<512x128xf32> to vector<512x64xf32>
    %concatenate3A_209 = tpu.concatenate %neg3A_207, %slice3A_208 in 1 : vector<512x64xf32>, vector<512x64xf32> -> vector<512x128xf32>
    %mul3A_210 = arith.mulf %slice3A_203, %get3A_22 : vector<512x128xf32>
    %mul3A_211 = arith.mulf %concatenate3A_209, %get3A_25 : vector<512x128xf32>
    %add3A_212 = arith.addf %mul3A_210, %mul3A_211 : vector<512x128xf32>
    %convert_element_type3A_213 = arith.truncf %add3A_212 : vector<512x128xf32> to vector<512x128xbf16>
    %swap3A_214 = arith.constant 0 : index
    %swap3A_215 = arith.constant 1664 : index
    %swap3A_216 = vector.load %arg7[%swap3A_214, %swap3A_215] : memref<512x2048xbf16, #tpu.memory_space<vmem>>, vector<512x128xbf16>
    tpu.vector_store %arg7[%swap3A_214, %swap3A_215], %convert_element_type3A_213 {strides = array<i32>} : memref<512x2048xbf16, #tpu.memory_space<vmem>>, vector<512x128xbf16>,
    %slice3A_217 = vector.extract_strided_slice %add3A_9 {offsets = [0, 1792], sizes = [512, 128], strides = [1, 1]} : vector<512x2048xf32> to vector<512x128xf32>
    %slice3A_218 = vector.extract_strided_slice %slice3A_217 {offsets = [0, 64], sizes = [512, 64], strides = [1, 1]} : vector<512x128xf32> to vector<512x64xf32>
    %neg3A_219 = arith.constant 0.000000e+00 : f32
    %neg3A_220 = vector.broadcast %neg3A_219 : f32 to vector<512x64xf32>
    %neg3A_221 = arith.subf %neg3A_220, %slice3A_218 : vector<512x64xf32>
    %slice3A_222 = vector.extract_strided_slice %slice3A_217 {offsets = [0, 0], sizes = [512, 64], strides = [1, 1]} : vector<512x128xf32> to vector<512x64xf32>
    %concatenate3A_223 = tpu.concatenate %neg3A_221, %slice3A_222 in 1 : vector<512x64xf32>, vector<512x64xf32> -> vector<512x128xf32>
    %mul3A_224 = arith.mulf %slice3A_217, %get3A_22 : vector<512x128xf32>
    %mul3A_225 = arith.mulf %concatenate3A_223, %get3A_25 : vector<512x128xf32>
    %add3A_226 = arith.addf %mul3A_224, %mul3A_225 : vector<512x128xf32>
    %convert_element_type3A_227 = arith.truncf %add3A_226 : vector<512x128xf32> to vector<512x128xbf16>
    %swap3A_228 = arith.constant 0 : index
    %swap3A_229 = arith.constant 1792 : index
    %swap3A_230 = vector.load %arg7[%swap3A_228, %swap3A_229] : memref<512x2048xbf16, #tpu.memory_space<vmem>>, vector<512x128xbf16>
    tpu.vector_store %arg7[%swap3A_228, %swap3A_229], %convert_element_type3A_227 {strides = array<i32>} : memref<512x2048xbf16, #tpu.memory_space<vmem>>, vector<512x128xbf16>,
    %slice3A_231 = vector.extract_strided_slice %add3A_9 {offsets = [0, 1920], sizes = [512, 128], strides = [1, 1]} : vector<512x2048xf32> to vector<512x128xf32>
    %slice3A_232 = vector.extract_strided_slice %slice3A_231 {offsets = [0, 64], sizes = [512, 64], strides = [1, 1]} : vector<512x128xf32> to vector<512x64xf32>
    %neg3A_233 = arith.constant 0.000000e+00 : f32
    %neg3A_234 = vector.broadcast %neg3A_233 : f32 to vector<512x64xf32>
    %neg3A_235 = arith.subf %neg3A_234, %slice3A_232 : vector<512x64xf32>
    %slice3A_236 = vector.extract_strided_slice %slice3A_231 {offsets = [0, 0], sizes = [512, 64], strides = [1, 1]} : vector<512x128xf32> to vector<512x64xf32>
    %concatenate3A_237 = tpu.concatenate %neg3A_235, %slice3A_236 in 1 : vector<512x64xf32>, vector<512x64xf32> -> vector<512x128xf32>
    %mul3A_238 = arith.mulf %slice3A_231, %get3A_22 : vector<512x128xf32>
    %mul3A_239 = arith.mulf %concatenate3A_237, %get3A_25 : vector<512x128xf32>
    %add3A_240 = arith.addf %mul3A_238, %mul3A_239 : vector<512x128xf32>
    %convert_element_type3A_241 = arith.truncf %add3A_240 : vector<512x128xf32> to vector<512x128xbf16>
    %swap3A_242 = arith.constant 0 : index
    %swap3A_243 = arith.constant 1920 : index
    %swap3A_244 = vector.load %arg7[%swap3A_242, %swap3A_243] : memref<512x2048xbf16, #tpu.memory_space<vmem>>, vector<512x128xbf16>
    tpu.vector_store %arg7[%swap3A_242, %swap3A_243], %convert_element_type3A_241 {strides = array<i32>} : memref<512x2048xbf16, #tpu.memory_space<vmem>>, vector<512x128xbf16>,
    %slice3A_245 = vector.extract_strided_slice %add3A_19 {offsets = [0, 0], sizes = [512, 128], strides = [1, 1]} : vector<512x512xf32> to vector<512x128xf32>
    %slice3A_246 = vector.extract_strided_slice %slice3A_245 {offsets = [0, 64], sizes = [512, 64], strides = [1, 1]} : vector<512x128xf32> to vector<512x64xf32>
    %neg3A_247 = arith.constant 0.000000e+00 : f32
    %neg3A_248 = vector.broadcast %neg3A_247 : f32 to vector<512x64xf32>
    %neg3A_249 = arith.subf %neg3A_248, %slice3A_246 : vector<512x64xf32>
    %slice3A_250 = vector.extract_strided_slice %slice3A_245 {offsets = [0, 0], sizes = [512, 64], strides = [1, 1]} : vector<512x128xf32> to vector<512x64xf32>
    %concatenate3A_251 = tpu.concatenate %neg3A_249, %slice3A_250 in 1 : vector<512x64xf32>, vector<512x64xf32> -> vector<512x128xf32>
    %mul3A_252 = arith.mulf %slice3A_245, %get3A_22 : vector<512x128xf32>
    %mul3A_253 = arith.mulf %concatenate3A_251, %get3A_25 : vector<512x128xf32>
    %add3A_254 = arith.addf %mul3A_252, %mul3A_253 : vector<512x128xf32>
    %convert_element_type3A_255 = arith.truncf %add3A_254 : vector<512x128xf32> to vector<512x128xbf16>
    %swap3A_256 = arith.constant 0 : index
    %swap3A_257 = arith.constant 0 : index
    %swap3A_258 = vector.load %arg8[%swap3A_256, %swap3A_257] : memref<512x512xbf16, #tpu.memory_space<vmem>>, vector<512x128xbf16>
    tpu.vector_store %arg8[%swap3A_256, %swap3A_257], %convert_element_type3A_255 {strides = array<i32>} : memref<512x512xbf16, #tpu.memory_space<vmem>>, vector<512x128xbf16>,
    %slice3A_259 = vector.extract_strided_slice %add3A_19 {offsets = [0, 128], sizes = [512, 128], strides = [1, 1]} : vector<512x512xf32> to vector<512x128xf32>
    %slice3A_260 = vector.extract_strided_slice %slice3A_259 {offsets = [0, 64], sizes = [512, 64], strides = [1, 1]} : vector<512x128xf32> to vector<512x64xf32>
    %neg3A_261 = arith.constant 0.000000e+00 : f32
    %neg3A_262 = vector.broadcast %neg3A_261 : f32 to vector<512x64xf32>
    %neg3A_263 = arith.subf %neg3A_262, %slice3A_260 : vector<512x64xf32>
    %slice3A_264 = vector.extract_strided_slice %slice3A_259 {offsets = [0, 0], sizes = [512, 64], strides = [1, 1]} : vector<512x128xf32> to vector<512x64xf32>
    %concatenate3A_265 = tpu.concatenate %neg3A_263, %slice3A_264 in 1 : vector<512x64xf32>, vector<512x64xf32> -> vector<512x128xf32>
    %mul3A_266 = arith.mulf %slice3A_259, %get3A_22 : vector<512x128xf32>
    %mul3A_267 = arith.mulf %concatenate3A_265, %get3A_25 : vector<512x128xf32>
    %add3A_268 = arith.addf %mul3A_266, %mul3A_267 : vector<512x128xf32>
    %convert_element_type3A_269 = arith.truncf %add3A_268 : vector<512x128xf32> to vector<512x128xbf16>
    %swap3A_270 = arith.constant 0 : index
    %swap3A_271 = arith.constant 128 : index
    %swap3A_272 = vector.load %arg8[%swap3A_270, %swap3A_271] : memref<512x512xbf16, #tpu.memory_space<vmem>>, vector<512x128xbf16>
    tpu.vector_store %arg8[%swap3A_270, %swap3A_271], %convert_element_type3A_269 {strides = array<i32>} : memref<512x512xbf16, #tpu.memory_space<vmem>>, vector<512x128xbf16>,
    %slice3A_273 = vector.extract_strided_slice %add3A_19 {offsets = [0, 256], sizes = [512, 256], strides = [1, 1]} : vector<512x512xf32> to vector<512x256xf32>
    %convert_element_type3A_274 = arith.truncf %slice3A_273 : vector<512x256xf32> to vector<512x256xbf16>
    %swap3A_275 = arith.constant 0 : index
    %swap3A_276 = arith.constant 256 : index
    %swap3A_277 = vector.load %arg8[%swap3A_275, %swap3A_276] : memref<512x512xbf16, #tpu.memory_space<vmem>>, vector<512x256xbf16>
    tpu.vector_store %arg8[%swap3A_275, %swap3A_276], %convert_element_type3A_274 {strides = array<i32>} : memref<512x512xbf16, #tpu.memory_space<vmem>>, vector<512x256xbf16>,
    return
  }
  func.func @transform_0(%arg0: i32) -> (i32, i32) {
    %c0_i32 = arith.constant 0 : i32
    %c0_i32_0 = arith.constant 0 : i32
    return %arg0, %c0_i32 : i32, i32
  }
  func.func @transform_1(%arg0: i32) -> (i32, i32) {
    %c0_i32 = arith.constant 0 : i32
    %c0_i32_0 = arith.constant 0 : i32
    %c0_i32_1 = arith.constant 0 : i32
    return %c0_i32, %c0_i32_0 : i32, i32
  }
  func.func @transform_2(%arg0: i32) -> (i32, i32) {
    %c0_i32 = arith.constant 0 : i32
    %c0_i32_0 = arith.constant 0 : i32
    %c0_i32_1 = arith.constant 0 : i32
    return %c0_i32, %c0_i32_0 : i32, i32
  }
  func.func @transform_3(%arg0: i32) -> (i32, i32) {
    %c0_i32 = arith.constant 0 : i32
    %c0_i32_0 = arith.constant 0 : i32
    %c0_i32_1 = arith.constant 0 : i32
    return %c0_i32, %c0_i32_0 : i32, i32
  }
  func.func @transform_4(%arg0: i32) -> (i32, i32) {
    %c0_i32 = arith.constant 0 : i32
    %c0_i32_0 = arith.constant 0 : i32
    return %arg0, %c0_i32 : i32, i32
  }
  func.func @transform_5(%arg0: i32) -> (i32, i32) {
    %c0_i32 = arith.constant 0 : i32
    %c0_i32_0 = arith.constant 0 : i32
    return %arg0, %c0_i32 : i32, i32
  }
  func.func @transform_6(%arg0: i32) -> (i32, i32) {
    %c0_i32 = arith.constant 0 : i32
    %c0_i32_0 = arith.constant 0 : i32
    return %arg0, %c0_i32 : i32, i32
  }
  func.func @transform_7(%arg0: i32) -> (i32, i32) {
    %c0_i32 = arith.constant 0 : i32
    %c0_i32_0 = arith.constant 0 : i32
    return %arg0, %c0_i32 : i32, i32
  }
}

module attributes {stable_mosaic.version = 14 : i64} {
  func.func @_select_body(%arg0: memref<8x2048xbf16, #tpu.memory_space<vmem>>, %arg1: memref<4096x256xbf16, #tpu.memory_space<vmem>>, %arg2: memref<32x128xi32, #tpu.memory_space<vmem>>) attributes {dimension_semantics = [], scalar_prefetch = 0 : i64, scratch_operands = 0 : i64, tpu.core_type = #tpu.core_type<tc>} {
    %get3A = arith.constant 0 : index
    %get3A_0 = arith.constant 0 : index
    %get3A_1 = vector.load %arg0[%get3A, %get3A_0] : memref<8x2048xbf16, #tpu.memory_space<vmem>>, vector<1x2048xbf16>
    %convert_element_type3A = arith.extf %get3A_1 : vector<1x2048xbf16> to vector<1x2048xf32>
    %broadcast_in_dim3A = arith.constant 0.000000e+00 : f32
    %broadcast_in_dim3A_2 = vector.broadcast %broadcast_in_dim3A : f32 to vector<1x128xf32>
    %broadcast_in_dim3A_3 = arith.constant 0.000000e+00 : f32
    %broadcast_in_dim3A_4 = vector.broadcast %broadcast_in_dim3A_3 : f32 to vector<1x128xf32>
    %slice3A = vector.extract_strided_slice %convert_element_type3A {offsets = [0, 0], sizes = [1, 128], strides = [1, 1]} : vector<1x2048xf32> to vector<1x128xf32>
    %add3A = arith.addf %broadcast_in_dim3A_2, %slice3A : vector<1x128xf32>
    %slice3A_5 = vector.extract_strided_slice %convert_element_type3A {offsets = [0, 128], sizes = [1, 128], strides = [1, 1]} : vector<1x2048xf32> to vector<1x128xf32>
    %add3A_6 = arith.addf %add3A, %slice3A_5 : vector<1x128xf32>
    %slice3A_7 = vector.extract_strided_slice %convert_element_type3A {offsets = [0, 256], sizes = [1, 128], strides = [1, 1]} : vector<1x2048xf32> to vector<1x128xf32>
    %add3A_8 = arith.addf %add3A_6, %slice3A_7 : vector<1x128xf32>
    %slice3A_9 = vector.extract_strided_slice %convert_element_type3A {offsets = [0, 384], sizes = [1, 128], strides = [1, 1]} : vector<1x2048xf32> to vector<1x128xf32>
    %add3A_10 = arith.addf %add3A_8, %slice3A_9 : vector<1x128xf32>
    %slice3A_11 = vector.extract_strided_slice %convert_element_type3A {offsets = [0, 512], sizes = [1, 128], strides = [1, 1]} : vector<1x2048xf32> to vector<1x128xf32>
    %add3A_12 = arith.addf %add3A_10, %slice3A_11 : vector<1x128xf32>
    %slice3A_13 = vector.extract_strided_slice %convert_element_type3A {offsets = [0, 640], sizes = [1, 128], strides = [1, 1]} : vector<1x2048xf32> to vector<1x128xf32>
    %add3A_14 = arith.addf %add3A_12, %slice3A_13 : vector<1x128xf32>
    %slice3A_15 = vector.extract_strided_slice %convert_element_type3A {offsets = [0, 768], sizes = [1, 128], strides = [1, 1]} : vector<1x2048xf32> to vector<1x128xf32>
    %add3A_16 = arith.addf %add3A_14, %slice3A_15 : vector<1x128xf32>
    %slice3A_17 = vector.extract_strided_slice %convert_element_type3A {offsets = [0, 896], sizes = [1, 128], strides = [1, 1]} : vector<1x2048xf32> to vector<1x128xf32>
    %add3A_18 = arith.addf %add3A_16, %slice3A_17 : vector<1x128xf32>
    %slice3A_19 = vector.extract_strided_slice %convert_element_type3A {offsets = [0, 1024], sizes = [1, 128], strides = [1, 1]} : vector<1x2048xf32> to vector<1x128xf32>
    %add3A_20 = arith.addf %broadcast_in_dim3A_4, %slice3A_19 : vector<1x128xf32>
    %slice3A_21 = vector.extract_strided_slice %convert_element_type3A {offsets = [0, 1152], sizes = [1, 128], strides = [1, 1]} : vector<1x2048xf32> to vector<1x128xf32>
    %add3A_22 = arith.addf %add3A_20, %slice3A_21 : vector<1x128xf32>
    %slice3A_23 = vector.extract_strided_slice %convert_element_type3A {offsets = [0, 1280], sizes = [1, 128], strides = [1, 1]} : vector<1x2048xf32> to vector<1x128xf32>
    %add3A_24 = arith.addf %add3A_22, %slice3A_23 : vector<1x128xf32>
    %slice3A_25 = vector.extract_strided_slice %convert_element_type3A {offsets = [0, 1408], sizes = [1, 128], strides = [1, 1]} : vector<1x2048xf32> to vector<1x128xf32>
    %add3A_26 = arith.addf %add3A_24, %slice3A_25 : vector<1x128xf32>
    %slice3A_27 = vector.extract_strided_slice %convert_element_type3A {offsets = [0, 1536], sizes = [1, 128], strides = [1, 1]} : vector<1x2048xf32> to vector<1x128xf32>
    %add3A_28 = arith.addf %add3A_26, %slice3A_27 : vector<1x128xf32>
    %slice3A_29 = vector.extract_strided_slice %convert_element_type3A {offsets = [0, 1664], sizes = [1, 128], strides = [1, 1]} : vector<1x2048xf32> to vector<1x128xf32>
    %add3A_30 = arith.addf %add3A_28, %slice3A_29 : vector<1x128xf32>
    %slice3A_31 = vector.extract_strided_slice %convert_element_type3A {offsets = [0, 1792], sizes = [1, 128], strides = [1, 1]} : vector<1x2048xf32> to vector<1x128xf32>
    %add3A_32 = arith.addf %add3A_30, %slice3A_31 : vector<1x128xf32>
    %slice3A_33 = vector.extract_strided_slice %convert_element_type3A {offsets = [0, 1920], sizes = [1, 128], strides = [1, 1]} : vector<1x2048xf32> to vector<1x128xf32>
    %add3A_34 = arith.addf %add3A_32, %slice3A_33 : vector<1x128xf32>
    %concatenate3A = tpu.concatenate %add3A_18, %add3A_34 in 1 : vector<1x128xf32>, vector<1x128xf32> -> vector<1x256xf32>
    %mul3A = arith.constant 6.250000e-02 : f32
    %mul3A_35 = vector.broadcast %mul3A : f32 to vector<1x256xf32>
    %mul3A_36 = arith.mulf %concatenate3A, %mul3A_35 : vector<1x256xf32>
    %get3A_37 = arith.constant 0 : index
    %get3A_38 = arith.constant 0 : index
    %get3A_39 = vector.load %arg1[%get3A_37, %get3A_38] : memref<4096x256xbf16, #tpu.memory_space<vmem>>, vector<4096x256xbf16>
    %convert_element_type3A_40 = arith.extf %get3A_39 : vector<4096x256xbf16> to vector<4096x256xf32>
    %reshape3A = vector.shape_cast %convert_element_type3A_40 : vector<4096x256xf32> to vector<32x128x256xf32>
    %reshape3A_41 = vector.shape_cast %mul3A_36 : vector<1x256xf32> to vector<1x1x256xf32>
    %mul3A_42 = vector.broadcast %reshape3A_41 : vector<1x1x256xf32> to vector<32x128x256xf32>
    %mul3A_43 = arith.mulf %reshape3A, %mul3A_42 : vector<32x128x256xf32>
    %reduce_sum3A = arith.constant dense<0.000000e+00> : vector<32x128xf32>
    %reduce_sum3A_44 = vector.multi_reduction <add>, %mul3A_43, %reduce_sum3A [2] : vector<32x128x256xf32> to vector<32x128xf32>
    %reduce_min3A = vector.shape_cast %reduce_sum3A_44 : vector<32x128xf32> to vector<1x32x128xf32>
    %reduce_min3A_45 = arith.constant dense<0x7F800000> : vector<1xf32>
    %reduce_min3A_46 = vector.multi_reduction <minimumf>, %reduce_min3A, %reduce_min3A_45 [1, 2] : vector<1x32x128xf32> to vector<1xf32>
    %reduce_min3A_47 = vector.shape_cast %reduce_min3A_46 : vector<1xf32> to vector<1x1x1xf32>
    %reduce_min3A_48 = vector.extract %reduce_min3A_47[0, 0, 0] : f32 from vector<1x1x1xf32>
    %reduce_max3A = vector.shape_cast %reduce_sum3A_44 : vector<32x128xf32> to vector<1x32x128xf32>
    %reduce_max3A_49 = arith.constant dense<0xFF800000> : vector<1xf32>
    %reduce_max3A_50 = vector.multi_reduction <maximumf>, %reduce_max3A, %reduce_max3A_49 [1, 2] : vector<1x32x128xf32> to vector<1xf32>
    %reduce_max3A_51 = vector.shape_cast %reduce_max3A_50 : vector<1xf32> to vector<1x1x1xf32>
    %reduce_max3A_52 = vector.extract %reduce_max3A_51[0, 0, 0] : f32 from vector<1x1x1xf32>
    %add3A_53 = arith.constant 1.000000e+00 : f32
    %add3A_54 = arith.addf %reduce_max3A_52, %add3A_53 : f32
    %scan3A = arith.constant 0 : i32
    %scan3A_55 = arith.constant 64 : i32
    %scan3A_56 = arith.addi %scan3A, %scan3A_55 : i32
    %scan3A_57 = arith.constant 1 : i32
    %scan3A_58:2 = scf.for %scan3A_113 = %scan3A to %scan3A_56 step %scan3A_57 iter_args(%scan3A_114 = %reduce_min3A_48, %scan3A_115 = %add3A_54) -> (f32, f32)  : i32 {
      %add3A_116 = arith.addf %scan3A_114, %scan3A_115 : f32
      %mul3A_117 = arith.constant 5.000000e-01 : f32
      %mul3A_118 = arith.mulf %mul3A_117, %add3A_116 : f32
      %ge3A = vector.broadcast %mul3A_118 : f32 to vector<32x128xf32>
      %ge3A_119 = arith.cmpf oge, %reduce_sum3A_44, %ge3A : vector<32x128xf32>
      %convert_element_type3A_120 = arith.extui %ge3A_119 : vector<32x128xi1> to vector<32x128xi32>
      %reduce_sum3A_121 = vector.shape_cast %convert_element_type3A_120 : vector<32x128xi32> to vector<1x32x128xi32>
      %reduce_sum3A_122 = arith.constant dense<0> : vector<1xi32>
      %reduce_sum3A_123 = vector.multi_reduction <add>, %reduce_sum3A_121, %reduce_sum3A_122 [1, 2] : vector<1x32x128xi32> to vector<1xi32>
      %reduce_sum3A_124 = vector.shape_cast %reduce_sum3A_123 : vector<1xi32> to vector<1x1x1xi32>
      %reduce_sum3A_125 = vector.extract %reduce_sum3A_124[0, 0, 0] : i32 from vector<1x1x1xi32>
      %ge3A_126 = arith.constant 1228 : i32
      %ge3A_127 = arith.cmpi sge, %reduce_sum3A_125, %ge3A_126 : i32
      %select_n3A_128 = arith.select %ge3A_127, %mul3A_118, %scan3A_114 : f32
      %select_n3A_129 = arith.select %ge3A_127, %scan3A_115, %mul3A_118 : f32
      scf.yield %select_n3A_128, %select_n3A_129 : f32, f32
    }
    %gt3A = vector.broadcast %scan3A_58#0 : f32 to vector<32x128xf32>
    %gt3A_59 = arith.cmpf ogt, %reduce_sum3A_44, %gt3A : vector<32x128xf32>
    %convert_element_type3A_60 = arith.extui %gt3A_59 : vector<32x128xi1> to vector<32x128xi32>
    %reduce_sum3A_61 = vector.shape_cast %convert_element_type3A_60 : vector<32x128xi32> to vector<1x32x128xi32>
    %reduce_sum3A_62 = arith.constant dense<0> : vector<1xi32>
    %reduce_sum3A_63 = vector.multi_reduction <add>, %reduce_sum3A_61, %reduce_sum3A_62 [1, 2] : vector<1x32x128xi32> to vector<1xi32>
    %reduce_sum3A_64 = vector.shape_cast %reduce_sum3A_63 : vector<1xi32> to vector<1x1x1xi32>
    %reduce_sum3A_65 = vector.extract %reduce_sum3A_64[0, 0, 0] : i32 from vector<1x1x1xi32>
    %sub3A = arith.constant 1228 : i32
    %sub3A_66 = arith.subi %sub3A, %reduce_sum3A_65 : i32
    %eq3A = vector.broadcast %scan3A_58#0 : f32 to vector<32x128xf32>
    %eq3A_67 = arith.cmpf oeq, %reduce_sum3A_44, %eq3A : vector<32x128xf32>
    %iota3A = tpu.iota {dimensions = array<i32: 0>} : vector<32x128xi32>
    %mul3A_68 = arith.constant 128 : i32
    %mul3A_69 = vector.broadcast %mul3A_68 : i32 to vector<32x128xi32>
    %mul3A_70 = arith.muli %iota3A, %mul3A_69 : vector<32x128xi32>
    %iota3A_71 = tpu.iota {dimensions = array<i32: 1>} : vector<32x128xi32>
    %add3A_72 = arith.addi %mul3A_70, %iota3A_71 : vector<32x128xi32>
    %scan3A_73 = arith.constant 0 : i32
    %scan3A_74 = arith.constant 4095 : i32
    %scan3A_75 = arith.constant 0 : i32
    %scan3A_76 = arith.constant 13 : i32
    %scan3A_77 = arith.addi %scan3A_75, %scan3A_76 : i32
    %scan3A_78 = arith.constant 1 : i32
    %scan3A_79:2 = scf.for %scan3A_113 = %scan3A_75 to %scan3A_77 step %scan3A_78 iter_args(%scan3A_114 = %scan3A_73, %scan3A_115 = %scan3A_74) -> (i32, i32)  : i32 {
      %add3A_116 = arith.addi %scan3A_114, %scan3A_115 : i32
      %jit3A = arith.constant 2 : i32
      %div3A = arith.divsi %add3A_116, %jit3A : i32
      %sign3A = arith.constant 0 : i32
      %sign3A_117 = arith.cmpi sgt, %add3A_116, %sign3A : i32
      %sign3A_118 = arith.extui %sign3A_117 : i1 to i32
      %sign3A_119 = arith.constant 0 : i32
      %sign3A_120 = arith.cmpi slt, %add3A_116, %sign3A_119 : i32
      %sign3A_121 = arith.extui %sign3A_120 : i1 to i32
      %sign3A_122 = arith.subi %sign3A_118, %sign3A_121 : i32
      %sign3A_123 = arith.constant 0 : i32
      %sign3A_124 = arith.cmpi sgt, %jit3A, %sign3A_123 : i32
      %sign3A_125 = arith.extui %sign3A_124 : i1 to i32
      %sign3A_126 = arith.constant 0 : i32
      %sign3A_127 = arith.cmpi slt, %jit3A, %sign3A_126 : i32
      %sign3A_128 = arith.extui %sign3A_127 : i1 to i32
      %sign3A_129 = arith.subi %sign3A_125, %sign3A_128 : i32
      %ne3A = arith.cmpi ne, %sign3A_122, %sign3A_129 : i32
      %rem3A = arith.remsi %add3A_116, %jit3A : i32
      %ne3A_130 = arith.constant 0 : i32
      %ne3A_131 = arith.cmpi ne, %rem3A, %ne3A_130 : i32
      %and3A_132 = arith.andi %ne3A, %ne3A_131 : i1
      %sub3A_133 = arith.constant 1 : i32
      %sub3A_134 = arith.subi %div3A, %sub3A_133 : i32
      %select_n3A_135 = arith.select %and3A_132, %sub3A_134, %div3A : i32
      %le3A_136 = vector.broadcast %select_n3A_135 : i32 to vector<32x128xi32>
      %le3A_137 = arith.cmpi sle, %add3A_72, %le3A_136 : vector<32x128xi32>
      %and3A_138 = arith.andi %eq3A_67, %le3A_137 : vector<32x128xi1>
      %convert_element_type3A_139 = arith.extui %and3A_138 : vector<32x128xi1> to vector<32x128xi32>
      %reduce_sum3A_140 = vector.shape_cast %convert_element_type3A_139 : vector<32x128xi32> to vector<1x32x128xi32>
      %reduce_sum3A_141 = arith.constant dense<0> : vector<1xi32>
      %reduce_sum3A_142 = vector.multi_reduction <add>, %reduce_sum3A_140, %reduce_sum3A_141 [1, 2] : vector<1x32x128xi32> to vector<1xi32>
      %reduce_sum3A_143 = vector.shape_cast %reduce_sum3A_142 : vector<1xi32> to vector<1x1x1xi32>
      %reduce_sum3A_144 = vector.extract %reduce_sum3A_143[0, 0, 0] : i32 from vector<1x1x1xi32>
      %ge3A = arith.cmpi sge, %reduce_sum3A_144, %sub3A_66 : i32
      %add3A_145 = arith.constant 1 : i32
      %add3A_146 = arith.addi %select_n3A_135, %add3A_145 : i32
      %select_n3A_147 = arith.select %ge3A, %scan3A_114, %add3A_146 : i32
      %select_n3A_148 = arith.select %ge3A, %select_n3A_135, %scan3A_115 : i32
      scf.yield %select_n3A_147, %select_n3A_148 : i32, i32
    }
    %gt3A_80 = vector.broadcast %scan3A_58#0 : f32 to vector<32x128xf32>
    %gt3A_81 = arith.cmpf ogt, %reduce_sum3A_44, %gt3A_80 : vector<32x128xf32>
    %le3A = vector.broadcast %scan3A_79#1 : i32 to vector<32x128xi32>
    %le3A_82 = arith.cmpi sle, %add3A_72, %le3A : vector<32x128xi32>
    %and3A = arith.andi %eq3A_67, %le3A_82 : vector<32x128xi1>
    %or3A = arith.ori %gt3A_81, %and3A : vector<32x128xi1>
    %convert_element_type3A_83 = arith.extui %or3A : vector<32x128xi1> to vector<32x128xi32>
    %convert_element_type3A_84 = arith.sitofp %convert_element_type3A_83 : vector<32x128xi32> to vector<32x128xf32>
    %convert_element_type3A_85 = arith.truncf %convert_element_type3A_84 : vector<32x128xf32> to vector<32x128xbf16>
    %iota3A_86 = tpu.iota {dimensions = array<i32: 0>} : vector<128x128xi32>
    %iota3A_87 = tpu.iota {dimensions = array<i32: 1>} : vector<128x128xi32>
    %le3A_88 = arith.cmpi sle, %iota3A_86, %iota3A_87 : vector<128x128xi32>
    %convert_element_type3A_89 = arith.extui %le3A_88 : vector<128x128xi1> to vector<128x128xi32>
    %convert_element_type3A_90 = arith.sitofp %convert_element_type3A_89 : vector<128x128xi32> to vector<128x128xf32>
    %convert_element_type3A_91 = arith.truncf %convert_element_type3A_90 : vector<128x128xf32> to vector<128x128xbf16>
    %dot_general3A = arith.constant dense<0.000000e+00> : vector<32x128xf32>
    %dot_general3A_92 = tpu.matmul %convert_element_type3A_85, %convert_element_type3A_91, %dot_general3A {dimension_numbers = #tpu.dot_dimension_numbers<[1], [0], [0], [1], [0, 0, 1, 1], [], []>, transpose_lhs_hint = false} : vector<32x128xbf16>, vector<128x128xbf16>, vector<32x128xf32> -> vector<32x128xf32>
    %iota3A_93 = tpu.iota {dimensions = array<i32: 0>} : vector<32x32xi32>
    %iota3A_94 = tpu.iota {dimensions = array<i32: 1>} : vector<32x32xi32>
    %lt3A = arith.cmpi slt, %iota3A_94, %iota3A_93 : vector<32x32xi32>
    %convert_element_type3A_95 = arith.extui %lt3A : vector<32x32xi1> to vector<32x32xi32>
    %convert_element_type3A_96 = arith.sitofp %convert_element_type3A_95 : vector<32x32xi32> to vector<32x32xf32>
    %convert_element_type3A_97 = arith.truncf %convert_element_type3A_96 : vector<32x32xf32> to vector<32x32xbf16>
    %slice3A_98 = vector.extract_strided_slice %dot_general3A_92 {offsets = [0, 127], sizes = [32, 1], strides = [1, 1]} : vector<32x128xf32> to vector<32x1xf32>
    %convert_element_type3A_99 = arith.truncf %slice3A_98 : vector<32x1xf32> to vector<32x1xbf16>
    %dot_general3A_100 = arith.constant dense<0.000000e+00> : vector<32x1xf32>
    %dot_general3A_101 = tpu.matmul %convert_element_type3A_97, %convert_element_type3A_99, %dot_general3A_100 {dimension_numbers = #tpu.dot_dimension_numbers<[1], [0], [0], [1], [0, 0, 1, 1], [], []>, transpose_lhs_hint = false} : vector<32x32xbf16>, vector<32x1xbf16>, vector<32x1xf32> -> vector<32x1xf32>
    %add3A_102 = vector.broadcast %dot_general3A_101 : vector<32x1xf32> to vector<32x128xf32>
    %add3A_103 = arith.addf %dot_general3A_92, %add3A_102 : vector<32x128xf32>
    %convert_element_type3A_104 = arith.fptosi %add3A_103 : vector<32x128xf32> to vector<32x128xi32>
    %convert_element_type3A_105 = arith.extui %or3A : vector<32x128xi1> to vector<32x128xi32>
    %sub3A_106 = arith.subi %convert_element_type3A_104, %convert_element_type3A_105 : vector<32x128xi32>
    %add3A_107 = arith.constant 1228 : i32
    %add3A_108 = vector.broadcast %add3A_107 : i32 to vector<32x128xi32>
    %add3A_109 = arith.addi %add3A_108, %add3A_72 : vector<32x128xi32>
    %sub3A_110 = arith.subi %add3A_109, %sub3A_106 : vector<32x128xi32>
    %select_n3A = arith.select %or3A, %sub3A_106, %sub3A_110 : vector<32x128xi1>, vector<32x128xi32>
    %swap3A = arith.constant 0 : index
    %swap3A_111 = arith.constant 0 : index
    %swap3A_112 = vector.load %arg2[%swap3A, %swap3A_111] : memref<32x128xi32, #tpu.memory_space<vmem>>, vector<32x128xi32>
    tpu.vector_store %arg2[%swap3A, %swap3A_111], %select_n3A {strides = array<i32>} : memref<32x128xi32, #tpu.memory_space<vmem>>, vector<32x128xi32>,
    return
  }
}

module attributes {stable_mosaic.version = 14 : i64} {
  func.func @_attn_out_body(%arg0: i32, %arg1: memref<1024x2048xbf16, #tpu.memory_space<vmem>>, %arg2: memref<1280x512xbf16, #tpu.memory_space<vmem>>, %arg3: memref<8x1280xf32, #tpu.memory_space<vmem>>, %arg4: memref<2048x2048xbf16, #tpu.memory_space<vmem>>, %arg5: memref<1024x2048xf32, #tpu.memory_space<vmem>>) attributes {dimension_semantics = [#tpu.dimension_semantics<arbitrary>], iteration_bounds = array<i64: 4>, scalar_prefetch = 0 : i64, scratch_operands = 0 : i64, tpu.core_type = #tpu.core_type<tc>, window_params = [{transform_indices = @transform_0, window_bounds = array<i64: 1024, 2048>}, {pipeline_mode = #tpu.pipeline_mode<synchronous>, transform_indices = @transform_1, window_bounds = array<i64: 1280, 512>}, {pipeline_mode = #tpu.pipeline_mode<synchronous>, transform_indices = @transform_2, window_bounds = array<i64: 8, 1280>}, {pipeline_mode = #tpu.pipeline_mode<synchronous>, transform_indices = @transform_3, window_bounds = array<i64: 2048, 2048>}, {transform_indices = @transform_4, window_bounds = array<i64: 1024, 2048>}]} {
    %get3A = arith.constant 0 : index
    %get3A_0 = arith.constant 0 : index
    %get3A_1 = vector.load %arg3[%get3A, %get3A_0] : memref<8x1280xf32, #tpu.memory_space<vmem>>, vector<1x1280xf32>
    %get3A_2 = arith.constant 0 : index
    %get3A_3 = arith.constant 0 : index
    %get3A_4 = vector.load %arg2[%get3A_2, %get3A_3] : memref<1280x512xbf16, #tpu.memory_space<vmem>>, vector<1280x128xbf16>
    %get3A_5 = arith.constant 0 : index
    %get3A_6 = arith.constant 256 : index
    %get3A_7 = vector.load %arg2[%get3A_5, %get3A_6] : memref<1280x512xbf16, #tpu.memory_space<vmem>>, vector<1280x128xbf16>
    %get3A_8 = arith.constant 0 : index
    %get3A_9 = arith.constant 0 : index
    %get3A_10 = vector.load %arg1[%get3A_8, %get3A_9] : memref<1024x2048xbf16, #tpu.memory_space<vmem>>, vector<1024x128xbf16>
    %dot_general3A = arith.constant dense<0.000000e+00> : vector<1024x1280xf32>
    %dot_general3A_11 = tpu.matmul %get3A_10, %get3A_4, %dot_general3A {dimension_numbers = #tpu.dot_dimension_numbers<[1], [1], [0], [0], [0, 0, 1, 0], [], []>, transpose_lhs_hint = false} : vector<1024x128xbf16>, vector<1280x128xbf16>, vector<1024x1280xf32> -> vector<1024x1280xf32>
    %mul3A = arith.constant 0.127517432 : f32
    %mul3A_12 = vector.broadcast %mul3A : f32 to vector<1024x1280xf32>
    %mul3A_13 = arith.mulf %dot_general3A_11, %mul3A_12 : vector<1024x1280xf32>
    %add3A = vector.broadcast %get3A_1 : vector<1x1280xf32> to vector<1024x1280xf32>
    %add3A_14 = arith.addf %mul3A_13, %add3A : vector<1024x1280xf32>
    %exp23A = math.exp2 %add3A_14 : vector<1024x1280xf32>
    %reduce_sum3A = arith.constant dense<0.000000e+00> : vector<1024xf32>
    %reduce_sum3A_15 = vector.multi_reduction <add>, %exp23A, %reduce_sum3A [1] : vector<1024x1280xf32> to vector<1024xf32>
    %broadcast_in_dim3A = vector.shape_cast %reduce_sum3A_15 : vector<1024xf32> to vector<1024x1xf32>
    %convert_element_type3A = arith.truncf %exp23A : vector<1024x1280xf32> to vector<1024x1280xbf16>
    %dot_general3A_16 = arith.constant dense<0.000000e+00> : vector<1024x128xf32>
    %dot_general3A_17 = tpu.matmul %convert_element_type3A, %get3A_7, %dot_general3A_16 {dimension_numbers = #tpu.dot_dimension_numbers<[1], [0], [0], [1], [0, 0, 1, 1], [], []>, transpose_lhs_hint = false} : vector<1024x1280xbf16>, vector<1280x128xbf16>, vector<1024x128xf32> -> vector<1024x128xf32>
    %div3A = vector.broadcast %broadcast_in_dim3A : vector<1024x1xf32> to vector<1024x128xf32>
    %div3A_18 = arith.divf %dot_general3A_17, %div3A : vector<1024x128xf32>
    %convert_element_type3A_19 = arith.truncf %div3A_18 : vector<1024x128xf32> to vector<1024x128xbf16>
    %get3A_20 = arith.constant 0 : index
    %get3A_21 = arith.constant 128 : index
    %get3A_22 = vector.load %arg1[%get3A_20, %get3A_21] : memref<1024x2048xbf16, #tpu.memory_space<vmem>>, vector<1024x128xbf16>
    %dot_general3A_23 = arith.constant dense<0.000000e+00> : vector<1024x1280xf32>
    %dot_general3A_24 = tpu.matmul %get3A_22, %get3A_4, %dot_general3A_23 {dimension_numbers = #tpu.dot_dimension_numbers<[1], [1], [0], [0], [0, 0, 1, 0], [], []>, transpose_lhs_hint = false} : vector<1024x128xbf16>, vector<1280x128xbf16>, vector<1024x1280xf32> -> vector<1024x1280xf32>
    %mul3A_25 = arith.constant 0.127517432 : f32
    %mul3A_26 = vector.broadcast %mul3A_25 : f32 to vector<1024x1280xf32>
    %mul3A_27 = arith.mulf %dot_general3A_24, %mul3A_26 : vector<1024x1280xf32>
    %add3A_28 = vector.broadcast %get3A_1 : vector<1x1280xf32> to vector<1024x1280xf32>
    %add3A_29 = arith.addf %mul3A_27, %add3A_28 : vector<1024x1280xf32>
    %exp23A_30 = math.exp2 %add3A_29 : vector<1024x1280xf32>
    %reduce_sum3A_31 = arith.constant dense<0.000000e+00> : vector<1024xf32>
    %reduce_sum3A_32 = vector.multi_reduction <add>, %exp23A_30, %reduce_sum3A_31 [1] : vector<1024x1280xf32> to vector<1024xf32>
    %broadcast_in_dim3A_33 = vector.shape_cast %reduce_sum3A_32 : vector<1024xf32> to vector<1024x1xf32>
    %convert_element_type3A_34 = arith.truncf %exp23A_30 : vector<1024x1280xf32> to vector<1024x1280xbf16>
    %dot_general3A_35 = arith.constant dense<0.000000e+00> : vector<1024x128xf32>
    %dot_general3A_36 = tpu.matmul %convert_element_type3A_34, %get3A_7, %dot_general3A_35 {dimension_numbers = #tpu.dot_dimension_numbers<[1], [0], [0], [1], [0, 0, 1, 1], [], []>, transpose_lhs_hint = false} : vector<1024x1280xbf16>, vector<1280x128xbf16>, vector<1024x128xf32> -> vector<1024x128xf32>
    %div3A_37 = vector.broadcast %broadcast_in_dim3A_33 : vector<1024x1xf32> to vector<1024x128xf32>
    %div3A_38 = arith.divf %dot_general3A_36, %div3A_37 : vector<1024x128xf32>
    %convert_element_type3A_39 = arith.truncf %div3A_38 : vector<1024x128xf32> to vector<1024x128xbf16>
    %get3A_40 = arith.constant 0 : index
    %get3A_41 = arith.constant 256 : index
    %get3A_42 = vector.load %arg1[%get3A_40, %get3A_41] : memref<1024x2048xbf16, #tpu.memory_space<vmem>>, vector<1024x128xbf16>
    %dot_general3A_43 = arith.constant dense<0.000000e+00> : vector<1024x1280xf32>
    %dot_general3A_44 = tpu.matmul %get3A_42, %get3A_4, %dot_general3A_43 {dimension_numbers = #tpu.dot_dimension_numbers<[1], [1], [0], [0], [0, 0, 1, 0], [], []>, transpose_lhs_hint = false} : vector<1024x128xbf16>, vector<1280x128xbf16>, vector<1024x1280xf32> -> vector<1024x1280xf32>
    %mul3A_45 = arith.constant 0.127517432 : f32
    %mul3A_46 = vector.broadcast %mul3A_45 : f32 to vector<1024x1280xf32>
    %mul3A_47 = arith.mulf %dot_general3A_44, %mul3A_46 : vector<1024x1280xf32>
    %add3A_48 = vector.broadcast %get3A_1 : vector<1x1280xf32> to vector<1024x1280xf32>
    %add3A_49 = arith.addf %mul3A_47, %add3A_48 : vector<1024x1280xf32>
    %exp23A_50 = math.exp2 %add3A_49 : vector<1024x1280xf32>
    %reduce_sum3A_51 = arith.constant dense<0.000000e+00> : vector<1024xf32>
    %reduce_sum3A_52 = vector.multi_reduction <add>, %exp23A_50, %reduce_sum3A_51 [1] : vector<1024x1280xf32> to vector<1024xf32>
    %broadcast_in_dim3A_53 = vector.shape_cast %reduce_sum3A_52 : vector<1024xf32> to vector<1024x1xf32>
    %convert_element_type3A_54 = arith.truncf %exp23A_50 : vector<1024x1280xf32> to vector<1024x1280xbf16>
    %dot_general3A_55 = arith.constant dense<0.000000e+00> : vector<1024x128xf32>
    %dot_general3A_56 = tpu.matmul %convert_element_type3A_54, %get3A_7, %dot_general3A_55 {dimension_numbers = #tpu.dot_dimension_numbers<[1], [0], [0], [1], [0, 0, 1, 1], [], []>, transpose_lhs_hint = false} : vector<1024x1280xbf16>, vector<1280x128xbf16>, vector<1024x128xf32> -> vector<1024x128xf32>
    %div3A_57 = vector.broadcast %broadcast_in_dim3A_53 : vector<1024x1xf32> to vector<1024x128xf32>
    %div3A_58 = arith.divf %dot_general3A_56, %div3A_57 : vector<1024x128xf32>
    %convert_element_type3A_59 = arith.truncf %div3A_58 : vector<1024x128xf32> to vector<1024x128xbf16>
    %get3A_60 = arith.constant 0 : index
    %get3A_61 = arith.constant 384 : index
    %get3A_62 = vector.load %arg1[%get3A_60, %get3A_61] : memref<1024x2048xbf16, #tpu.memory_space<vmem>>, vector<1024x128xbf16>
    %dot_general3A_63 = arith.constant dense<0.000000e+00> : vector<1024x1280xf32>
    %dot_general3A_64 = tpu.matmul %get3A_62, %get3A_4, %dot_general3A_63 {dimension_numbers = #tpu.dot_dimension_numbers<[1], [1], [0], [0], [0, 0, 1, 0], [], []>, transpose_lhs_hint = false} : vector<1024x128xbf16>, vector<1280x128xbf16>, vector<1024x1280xf32> -> vector<1024x1280xf32>
    %mul3A_65 = arith.constant 0.127517432 : f32
    %mul3A_66 = vector.broadcast %mul3A_65 : f32 to vector<1024x1280xf32>
    %mul3A_67 = arith.mulf %dot_general3A_64, %mul3A_66 : vector<1024x1280xf32>
    %add3A_68 = vector.broadcast %get3A_1 : vector<1x1280xf32> to vector<1024x1280xf32>
    %add3A_69 = arith.addf %mul3A_67, %add3A_68 : vector<1024x1280xf32>
    %exp23A_70 = math.exp2 %add3A_69 : vector<1024x1280xf32>
    %reduce_sum3A_71 = arith.constant dense<0.000000e+00> : vector<1024xf32>
    %reduce_sum3A_72 = vector.multi_reduction <add>, %exp23A_70, %reduce_sum3A_71 [1] : vector<1024x1280xf32> to vector<1024xf32>
    %broadcast_in_dim3A_73 = vector.shape_cast %reduce_sum3A_72 : vector<1024xf32> to vector<1024x1xf32>
    %convert_element_type3A_74 = arith.truncf %exp23A_70 : vector<1024x1280xf32> to vector<1024x1280xbf16>
    %dot_general3A_75 = arith.constant dense<0.000000e+00> : vector<1024x128xf32>
    %dot_general3A_76 = tpu.matmul %convert_element_type3A_74, %get3A_7, %dot_general3A_75 {dimension_numbers = #tpu.dot_dimension_numbers<[1], [0], [0], [1], [0, 0, 1, 1], [], []>, transpose_lhs_hint = false} : vector<1024x1280xbf16>, vector<1280x128xbf16>, vector<1024x128xf32> -> vector<1024x128xf32>
    %div3A_77 = vector.broadcast %broadcast_in_dim3A_73 : vector<1024x1xf32> to vector<1024x128xf32>
    %div3A_78 = arith.divf %dot_general3A_76, %div3A_77 : vector<1024x128xf32>
    %convert_element_type3A_79 = arith.truncf %div3A_78 : vector<1024x128xf32> to vector<1024x128xbf16>
    %get3A_80 = arith.constant 0 : index
    %get3A_81 = arith.constant 512 : index
    %get3A_82 = vector.load %arg1[%get3A_80, %get3A_81] : memref<1024x2048xbf16, #tpu.memory_space<vmem>>, vector<1024x128xbf16>
    %dot_general3A_83 = arith.constant dense<0.000000e+00> : vector<1024x1280xf32>
    %dot_general3A_84 = tpu.matmul %get3A_82, %get3A_4, %dot_general3A_83 {dimension_numbers = #tpu.dot_dimension_numbers<[1], [1], [0], [0], [0, 0, 1, 0], [], []>, transpose_lhs_hint = false} : vector<1024x128xbf16>, vector<1280x128xbf16>, vector<1024x1280xf32> -> vector<1024x1280xf32>
    %mul3A_85 = arith.constant 0.127517432 : f32
    %mul3A_86 = vector.broadcast %mul3A_85 : f32 to vector<1024x1280xf32>
    %mul3A_87 = arith.mulf %dot_general3A_84, %mul3A_86 : vector<1024x1280xf32>
    %add3A_88 = vector.broadcast %get3A_1 : vector<1x1280xf32> to vector<1024x1280xf32>
    %add3A_89 = arith.addf %mul3A_87, %add3A_88 : vector<1024x1280xf32>
    %exp23A_90 = math.exp2 %add3A_89 : vector<1024x1280xf32>
    %reduce_sum3A_91 = arith.constant dense<0.000000e+00> : vector<1024xf32>
    %reduce_sum3A_92 = vector.multi_reduction <add>, %exp23A_90, %reduce_sum3A_91 [1] : vector<1024x1280xf32> to vector<1024xf32>
    %broadcast_in_dim3A_93 = vector.shape_cast %reduce_sum3A_92 : vector<1024xf32> to vector<1024x1xf32>
    %convert_element_type3A_94 = arith.truncf %exp23A_90 : vector<1024x1280xf32> to vector<1024x1280xbf16>
    %dot_general3A_95 = arith.constant dense<0.000000e+00> : vector<1024x128xf32>
    %dot_general3A_96 = tpu.matmul %convert_element_type3A_94, %get3A_7, %dot_general3A_95 {dimension_numbers = #tpu.dot_dimension_numbers<[1], [0], [0], [1], [0, 0, 1, 1], [], []>, transpose_lhs_hint = false} : vector<1024x1280xbf16>, vector<1280x128xbf16>, vector<1024x128xf32> -> vector<1024x128xf32>
    %div3A_97 = vector.broadcast %broadcast_in_dim3A_93 : vector<1024x1xf32> to vector<1024x128xf32>
    %div3A_98 = arith.divf %dot_general3A_96, %div3A_97 : vector<1024x128xf32>
    %convert_element_type3A_99 = arith.truncf %div3A_98 : vector<1024x128xf32> to vector<1024x128xbf16>
    %get3A_100 = arith.constant 0 : index
    %get3A_101 = arith.constant 640 : index
    %get3A_102 = vector.load %arg1[%get3A_100, %get3A_101] : memref<1024x2048xbf16, #tpu.memory_space<vmem>>, vector<1024x128xbf16>
    %dot_general3A_103 = arith.constant dense<0.000000e+00> : vector<1024x1280xf32>
    %dot_general3A_104 = tpu.matmul %get3A_102, %get3A_4, %dot_general3A_103 {dimension_numbers = #tpu.dot_dimension_numbers<[1], [1], [0], [0], [0, 0, 1, 0], [], []>, transpose_lhs_hint = false} : vector<1024x128xbf16>, vector<1280x128xbf16>, vector<1024x1280xf32> -> vector<1024x1280xf32>
    %mul3A_105 = arith.constant 0.127517432 : f32
    %mul3A_106 = vector.broadcast %mul3A_105 : f32 to vector<1024x1280xf32>
    %mul3A_107 = arith.mulf %dot_general3A_104, %mul3A_106 : vector<1024x1280xf32>
    %add3A_108 = vector.broadcast %get3A_1 : vector<1x1280xf32> to vector<1024x1280xf32>
    %add3A_109 = arith.addf %mul3A_107, %add3A_108 : vector<1024x1280xf32>
    %exp23A_110 = math.exp2 %add3A_109 : vector<1024x1280xf32>
    %reduce_sum3A_111 = arith.constant dense<0.000000e+00> : vector<1024xf32>
    %reduce_sum3A_112 = vector.multi_reduction <add>, %exp23A_110, %reduce_sum3A_111 [1] : vector<1024x1280xf32> to vector<1024xf32>
    %broadcast_in_dim3A_113 = vector.shape_cast %reduce_sum3A_112 : vector<1024xf32> to vector<1024x1xf32>
    %convert_element_type3A_114 = arith.truncf %exp23A_110 : vector<1024x1280xf32> to vector<1024x1280xbf16>
    %dot_general3A_115 = arith.constant dense<0.000000e+00> : vector<1024x128xf32>
    %dot_general3A_116 = tpu.matmul %convert_element_type3A_114, %get3A_7, %dot_general3A_115 {dimension_numbers = #tpu.dot_dimension_numbers<[1], [0], [0], [1], [0, 0, 1, 1], [], []>, transpose_lhs_hint = false} : vector<1024x1280xbf16>, vector<1280x128xbf16>, vector<1024x128xf32> -> vector<1024x128xf32>
    %div3A_117 = vector.broadcast %broadcast_in_dim3A_113 : vector<1024x1xf32> to vector<1024x128xf32>
    %div3A_118 = arith.divf %dot_general3A_116, %div3A_117 : vector<1024x128xf32>
    %convert_element_type3A_119 = arith.truncf %div3A_118 : vector<1024x128xf32> to vector<1024x128xbf16>
    %get3A_120 = arith.constant 0 : index
    %get3A_121 = arith.constant 768 : index
    %get3A_122 = vector.load %arg1[%get3A_120, %get3A_121] : memref<1024x2048xbf16, #tpu.memory_space<vmem>>, vector<1024x128xbf16>
    %dot_general3A_123 = arith.constant dense<0.000000e+00> : vector<1024x1280xf32>
    %dot_general3A_124 = tpu.matmul %get3A_122, %get3A_4, %dot_general3A_123 {dimension_numbers = #tpu.dot_dimension_numbers<[1], [1], [0], [0], [0, 0, 1, 0], [], []>, transpose_lhs_hint = false} : vector<1024x128xbf16>, vector<1280x128xbf16>, vector<1024x1280xf32> -> vector<1024x1280xf32>
    %mul3A_125 = arith.constant 0.127517432 : f32
    %mul3A_126 = vector.broadcast %mul3A_125 : f32 to vector<1024x1280xf32>
    %mul3A_127 = arith.mulf %dot_general3A_124, %mul3A_126 : vector<1024x1280xf32>
    %add3A_128 = vector.broadcast %get3A_1 : vector<1x1280xf32> to vector<1024x1280xf32>
    %add3A_129 = arith.addf %mul3A_127, %add3A_128 : vector<1024x1280xf32>
    %exp23A_130 = math.exp2 %add3A_129 : vector<1024x1280xf32>
    %reduce_sum3A_131 = arith.constant dense<0.000000e+00> : vector<1024xf32>
    %reduce_sum3A_132 = vector.multi_reduction <add>, %exp23A_130, %reduce_sum3A_131 [1] : vector<1024x1280xf32> to vector<1024xf32>
    %broadcast_in_dim3A_133 = vector.shape_cast %reduce_sum3A_132 : vector<1024xf32> to vector<1024x1xf32>
    %convert_element_type3A_134 = arith.truncf %exp23A_130 : vector<1024x1280xf32> to vector<1024x1280xbf16>
    %dot_general3A_135 = arith.constant dense<0.000000e+00> : vector<1024x128xf32>
    %dot_general3A_136 = tpu.matmul %convert_element_type3A_134, %get3A_7, %dot_general3A_135 {dimension_numbers = #tpu.dot_dimension_numbers<[1], [0], [0], [1], [0, 0, 1, 1], [], []>, transpose_lhs_hint = false} : vector<1024x1280xbf16>, vector<1280x128xbf16>, vector<1024x128xf32> -> vector<1024x128xf32>
    %div3A_137 = vector.broadcast %broadcast_in_dim3A_133 : vector<1024x1xf32> to vector<1024x128xf32>
    %div3A_138 = arith.divf %dot_general3A_136, %div3A_137 : vector<1024x128xf32>
    %convert_element_type3A_139 = arith.truncf %div3A_138 : vector<1024x128xf32> to vector<1024x128xbf16>
    %get3A_140 = arith.constant 0 : index
    %get3A_141 = arith.constant 896 : index
    %get3A_142 = vector.load %arg1[%get3A_140, %get3A_141] : memref<1024x2048xbf16, #tpu.memory_space<vmem>>, vector<1024x128xbf16>
    %dot_general3A_143 = arith.constant dense<0.000000e+00> : vector<1024x1280xf32>
    %dot_general3A_144 = tpu.matmul %get3A_142, %get3A_4, %dot_general3A_143 {dimension_numbers = #tpu.dot_dimension_numbers<[1], [1], [0], [0], [0, 0, 1, 0], [], []>, transpose_lhs_hint = false} : vector<1024x128xbf16>, vector<1280x128xbf16>, vector<1024x1280xf32> -> vector<1024x1280xf32>
    %mul3A_145 = arith.constant 0.127517432 : f32
    %mul3A_146 = vector.broadcast %mul3A_145 : f32 to vector<1024x1280xf32>
    %mul3A_147 = arith.mulf %dot_general3A_144, %mul3A_146 : vector<1024x1280xf32>
    %add3A_148 = vector.broadcast %get3A_1 : vector<1x1280xf32> to vector<1024x1280xf32>
    %add3A_149 = arith.addf %mul3A_147, %add3A_148 : vector<1024x1280xf32>
    %exp23A_150 = math.exp2 %add3A_149 : vector<1024x1280xf32>
    %reduce_sum3A_151 = arith.constant dense<0.000000e+00> : vector<1024xf32>
    %reduce_sum3A_152 = vector.multi_reduction <add>, %exp23A_150, %reduce_sum3A_151 [1] : vector<1024x1280xf32> to vector<1024xf32>
    %broadcast_in_dim3A_153 = vector.shape_cast %reduce_sum3A_152 : vector<1024xf32> to vector<1024x1xf32>
    %convert_element_type3A_154 = arith.truncf %exp23A_150 : vector<1024x1280xf32> to vector<1024x1280xbf16>
    %dot_general3A_155 = arith.constant dense<0.000000e+00> : vector<1024x128xf32>
    %dot_general3A_156 = tpu.matmul %convert_element_type3A_154, %get3A_7, %dot_general3A_155 {dimension_numbers = #tpu.dot_dimension_numbers<[1], [0], [0], [1], [0, 0, 1, 1], [], []>, transpose_lhs_hint = false} : vector<1024x1280xbf16>, vector<1280x128xbf16>, vector<1024x128xf32> -> vector<1024x128xf32>
    %div3A_157 = vector.broadcast %broadcast_in_dim3A_153 : vector<1024x1xf32> to vector<1024x128xf32>
    %div3A_158 = arith.divf %dot_general3A_156, %div3A_157 : vector<1024x128xf32>
    %convert_element_type3A_159 = arith.truncf %div3A_158 : vector<1024x128xf32> to vector<1024x128xbf16>
    %get3A_160 = arith.constant 0 : index
    %get3A_161 = arith.constant 128 : index
    %get3A_162 = vector.load %arg2[%get3A_160, %get3A_161] : memref<1280x512xbf16, #tpu.memory_space<vmem>>, vector<1280x128xbf16>
    %get3A_163 = arith.constant 0 : index
    %get3A_164 = arith.constant 384 : index
    %get3A_165 = vector.load %arg2[%get3A_163, %get3A_164] : memref<1280x512xbf16, #tpu.memory_space<vmem>>, vector<1280x128xbf16>
    %get3A_166 = arith.constant 0 : index
    %get3A_167 = arith.constant 1024 : index
    %get3A_168 = vector.load %arg1[%get3A_166, %get3A_167] : memref<1024x2048xbf16, #tpu.memory_space<vmem>>, vector<1024x128xbf16>
    %dot_general3A_169 = arith.constant dense<0.000000e+00> : vector<1024x1280xf32>
    %dot_general3A_170 = tpu.matmul %get3A_168, %get3A_162, %dot_general3A_169 {dimension_numbers = #tpu.dot_dimension_numbers<[1], [1], [0], [0], [0, 0, 1, 0], [], []>, transpose_lhs_hint = false} : vector<1024x128xbf16>, vector<1280x128xbf16>, vector<1024x1280xf32> -> vector<1024x1280xf32>
    %mul3A_171 = arith.constant 0.127517432 : f32
    %mul3A_172 = vector.broadcast %mul3A_171 : f32 to vector<1024x1280xf32>
    %mul3A_173 = arith.mulf %dot_general3A_170, %mul3A_172 : vector<1024x1280xf32>
    %add3A_174 = vector.broadcast %get3A_1 : vector<1x1280xf32> to vector<1024x1280xf32>
    %add3A_175 = arith.addf %mul3A_173, %add3A_174 : vector<1024x1280xf32>
    %exp23A_176 = math.exp2 %add3A_175 : vector<1024x1280xf32>
    %reduce_sum3A_177 = arith.constant dense<0.000000e+00> : vector<1024xf32>
    %reduce_sum3A_178 = vector.multi_reduction <add>, %exp23A_176, %reduce_sum3A_177 [1] : vector<1024x1280xf32> to vector<1024xf32>
    %broadcast_in_dim3A_179 = vector.shape_cast %reduce_sum3A_178 : vector<1024xf32> to vector<1024x1xf32>
    %convert_element_type3A_180 = arith.truncf %exp23A_176 : vector<1024x1280xf32> to vector<1024x1280xbf16>
    %dot_general3A_181 = arith.constant dense<0.000000e+00> : vector<1024x128xf32>
    %dot_general3A_182 = tpu.matmul %convert_element_type3A_180, %get3A_165, %dot_general3A_181 {dimension_numbers = #tpu.dot_dimension_numbers<[1], [0], [0], [1], [0, 0, 1, 1], [], []>, transpose_lhs_hint = false} : vector<1024x1280xbf16>, vector<1280x128xbf16>, vector<1024x128xf32> -> vector<1024x128xf32>
    %div3A_183 = vector.broadcast %broadcast_in_dim3A_179 : vector<1024x1xf32> to vector<1024x128xf32>
    %div3A_184 = arith.divf %dot_general3A_182, %div3A_183 : vector<1024x128xf32>
    %convert_element_type3A_185 = arith.truncf %div3A_184 : vector<1024x128xf32> to vector<1024x128xbf16>
    %get3A_186 = arith.constant 0 : index
    %get3A_187 = arith.constant 1152 : index
    %get3A_188 = vector.load %arg1[%get3A_186, %get3A_187] : memref<1024x2048xbf16, #tpu.memory_space<vmem>>, vector<1024x128xbf16>
    %dot_general3A_189 = arith.constant dense<0.000000e+00> : vector<1024x1280xf32>
    %dot_general3A_190 = tpu.matmul %get3A_188, %get3A_162, %dot_general3A_189 {dimension_numbers = #tpu.dot_dimension_numbers<[1], [1], [0], [0], [0, 0, 1, 0], [], []>, transpose_lhs_hint = false} : vector<1024x128xbf16>, vector<1280x128xbf16>, vector<1024x1280xf32> -> vector<1024x1280xf32>
    %mul3A_191 = arith.constant 0.127517432 : f32
    %mul3A_192 = vector.broadcast %mul3A_191 : f32 to vector<1024x1280xf32>
    %mul3A_193 = arith.mulf %dot_general3A_190, %mul3A_192 : vector<1024x1280xf32>
    %add3A_194 = vector.broadcast %get3A_1 : vector<1x1280xf32> to vector<1024x1280xf32>
    %add3A_195 = arith.addf %mul3A_193, %add3A_194 : vector<1024x1280xf32>
    %exp23A_196 = math.exp2 %add3A_195 : vector<1024x1280xf32>
    %reduce_sum3A_197 = arith.constant dense<0.000000e+00> : vector<1024xf32>
    %reduce_sum3A_198 = vector.multi_reduction <add>, %exp23A_196, %reduce_sum3A_197 [1] : vector<1024x1280xf32> to vector<1024xf32>
    %broadcast_in_dim3A_199 = vector.shape_cast %reduce_sum3A_198 : vector<1024xf32> to vector<1024x1xf32>
    %convert_element_type3A_200 = arith.truncf %exp23A_196 : vector<1024x1280xf32> to vector<1024x1280xbf16>
    %dot_general3A_201 = arith.constant dense<0.000000e+00> : vector<1024x128xf32>
    %dot_general3A_202 = tpu.matmul %convert_element_type3A_200, %get3A_165, %dot_general3A_201 {dimension_numbers = #tpu.dot_dimension_numbers<[1], [0], [0], [1], [0, 0, 1, 1], [], []>, transpose_lhs_hint = false} : vector<1024x1280xbf16>, vector<1280x128xbf16>, vector<1024x128xf32> -> vector<1024x128xf32>
    %div3A_203 = vector.broadcast %broadcast_in_dim3A_199 : vector<1024x1xf32> to vector<1024x128xf32>
    %div3A_204 = arith.divf %dot_general3A_202, %div3A_203 : vector<1024x128xf32>
    %convert_element_type3A_205 = arith.truncf %div3A_204 : vector<1024x128xf32> to vector<1024x128xbf16>
    %get3A_206 = arith.constant 0 : index
    %get3A_207 = arith.constant 1280 : index
    %get3A_208 = vector.load %arg1[%get3A_206, %get3A_207] : memref<1024x2048xbf16, #tpu.memory_space<vmem>>, vector<1024x128xbf16>
    %dot_general3A_209 = arith.constant dense<0.000000e+00> : vector<1024x1280xf32>
    %dot_general3A_210 = tpu.matmul %get3A_208, %get3A_162, %dot_general3A_209 {dimension_numbers = #tpu.dot_dimension_numbers<[1], [1], [0], [0], [0, 0, 1, 0], [], []>, transpose_lhs_hint = false} : vector<1024x128xbf16>, vector<1280x128xbf16>, vector<1024x1280xf32> -> vector<1024x1280xf32>
    %mul3A_211 = arith.constant 0.127517432 : f32
    %mul3A_212 = vector.broadcast %mul3A_211 : f32 to vector<1024x1280xf32>
    %mul3A_213 = arith.mulf %dot_general3A_210, %mul3A_212 : vector<1024x1280xf32>
    %add3A_214 = vector.broadcast %get3A_1 : vector<1x1280xf32> to vector<1024x1280xf32>
    %add3A_215 = arith.addf %mul3A_213, %add3A_214 : vector<1024x1280xf32>
    %exp23A_216 = math.exp2 %add3A_215 : vector<1024x1280xf32>
    %reduce_sum3A_217 = arith.constant dense<0.000000e+00> : vector<1024xf32>
    %reduce_sum3A_218 = vector.multi_reduction <add>, %exp23A_216, %reduce_sum3A_217 [1] : vector<1024x1280xf32> to vector<1024xf32>
    %broadcast_in_dim3A_219 = vector.shape_cast %reduce_sum3A_218 : vector<1024xf32> to vector<1024x1xf32>
    %convert_element_type3A_220 = arith.truncf %exp23A_216 : vector<1024x1280xf32> to vector<1024x1280xbf16>
    %dot_general3A_221 = arith.constant dense<0.000000e+00> : vector<1024x128xf32>
    %dot_general3A_222 = tpu.matmul %convert_element_type3A_220, %get3A_165, %dot_general3A_221 {dimension_numbers = #tpu.dot_dimension_numbers<[1], [0], [0], [1], [0, 0, 1, 1], [], []>, transpose_lhs_hint = false} : vector<1024x1280xbf16>, vector<1280x128xbf16>, vector<1024x128xf32> -> vector<1024x128xf32>
    %div3A_223 = vector.broadcast %broadcast_in_dim3A_219 : vector<1024x1xf32> to vector<1024x128xf32>
    %div3A_224 = arith.divf %dot_general3A_222, %div3A_223 : vector<1024x128xf32>
    %convert_element_type3A_225 = arith.truncf %div3A_224 : vector<1024x128xf32> to vector<1024x128xbf16>
    %get3A_226 = arith.constant 0 : index
    %get3A_227 = arith.constant 1408 : index
    %get3A_228 = vector.load %arg1[%get3A_226, %get3A_227] : memref<1024x2048xbf16, #tpu.memory_space<vmem>>, vector<1024x128xbf16>
    %dot_general3A_229 = arith.constant dense<0.000000e+00> : vector<1024x1280xf32>
    %dot_general3A_230 = tpu.matmul %get3A_228, %get3A_162, %dot_general3A_229 {dimension_numbers = #tpu.dot_dimension_numbers<[1], [1], [0], [0], [0, 0, 1, 0], [], []>, transpose_lhs_hint = false} : vector<1024x128xbf16>, vector<1280x128xbf16>, vector<1024x1280xf32> -> vector<1024x1280xf32>
    %mul3A_231 = arith.constant 0.127517432 : f32
    %mul3A_232 = vector.broadcast %mul3A_231 : f32 to vector<1024x1280xf32>
    %mul3A_233 = arith.mulf %dot_general3A_230, %mul3A_232 : vector<1024x1280xf32>
    %add3A_234 = vector.broadcast %get3A_1 : vector<1x1280xf32> to vector<1024x1280xf32>
    %add3A_235 = arith.addf %mul3A_233, %add3A_234 : vector<1024x1280xf32>
    %exp23A_236 = math.exp2 %add3A_235 : vector<1024x1280xf32>
    %reduce_sum3A_237 = arith.constant dense<0.000000e+00> : vector<1024xf32>
    %reduce_sum3A_238 = vector.multi_reduction <add>, %exp23A_236, %reduce_sum3A_237 [1] : vector<1024x1280xf32> to vector<1024xf32>
    %broadcast_in_dim3A_239 = vector.shape_cast %reduce_sum3A_238 : vector<1024xf32> to vector<1024x1xf32>
    %convert_element_type3A_240 = arith.truncf %exp23A_236 : vector<1024x1280xf32> to vector<1024x1280xbf16>
    %dot_general3A_241 = arith.constant dense<0.000000e+00> : vector<1024x128xf32>
    %dot_general3A_242 = tpu.matmul %convert_element_type3A_240, %get3A_165, %dot_general3A_241 {dimension_numbers = #tpu.dot_dimension_numbers<[1], [0], [0], [1], [0, 0, 1, 1], [], []>, transpose_lhs_hint = false} : vector<1024x1280xbf16>, vector<1280x128xbf16>, vector<1024x128xf32> -> vector<1024x128xf32>
    %div3A_243 = vector.broadcast %broadcast_in_dim3A_239 : vector<1024x1xf32> to vector<1024x128xf32>
    %div3A_244 = arith.divf %dot_general3A_242, %div3A_243 : vector<1024x128xf32>
    %convert_element_type3A_245 = arith.truncf %div3A_244 : vector<1024x128xf32> to vector<1024x128xbf16>
    %get3A_246 = arith.constant 0 : index
    %get3A_247 = arith.constant 1536 : index
    %get3A_248 = vector.load %arg1[%get3A_246, %get3A_247] : memref<1024x2048xbf16, #tpu.memory_space<vmem>>, vector<1024x128xbf16>
    %dot_general3A_249 = arith.constant dense<0.000000e+00> : vector<1024x1280xf32>
    %dot_general3A_250 = tpu.matmul %get3A_248, %get3A_162, %dot_general3A_249 {dimension_numbers = #tpu.dot_dimension_numbers<[1], [1], [0], [0], [0, 0, 1, 0], [], []>, transpose_lhs_hint = false} : vector<1024x128xbf16>, vector<1280x128xbf16>, vector<1024x1280xf32> -> vector<1024x1280xf32>
    %mul3A_251 = arith.constant 0.127517432 : f32
    %mul3A_252 = vector.broadcast %mul3A_251 : f32 to vector<1024x1280xf32>
    %mul3A_253 = arith.mulf %dot_general3A_250, %mul3A_252 : vector<1024x1280xf32>
    %add3A_254 = vector.broadcast %get3A_1 : vector<1x1280xf32> to vector<1024x1280xf32>
    %add3A_255 = arith.addf %mul3A_253, %add3A_254 : vector<1024x1280xf32>
    %exp23A_256 = math.exp2 %add3A_255 : vector<1024x1280xf32>
    %reduce_sum3A_257 = arith.constant dense<0.000000e+00> : vector<1024xf32>
    %reduce_sum3A_258 = vector.multi_reduction <add>, %exp23A_256, %reduce_sum3A_257 [1] : vector<1024x1280xf32> to vector<1024xf32>
    %broadcast_in_dim3A_259 = vector.shape_cast %reduce_sum3A_258 : vector<1024xf32> to vector<1024x1xf32>
    %convert_element_type3A_260 = arith.truncf %exp23A_256 : vector<1024x1280xf32> to vector<1024x1280xbf16>
    %dot_general3A_261 = arith.constant dense<0.000000e+00> : vector<1024x128xf32>
    %dot_general3A_262 = tpu.matmul %convert_element_type3A_260, %get3A_165, %dot_general3A_261 {dimension_numbers = #tpu.dot_dimension_numbers<[1], [0], [0], [1], [0, 0, 1, 1], [], []>, transpose_lhs_hint = false} : vector<1024x1280xbf16>, vector<1280x128xbf16>, vector<1024x128xf32> -> vector<1024x128xf32>
    %div3A_263 = vector.broadcast %broadcast_in_dim3A_259 : vector<1024x1xf32> to vector<1024x128xf32>
    %div3A_264 = arith.divf %dot_general3A_262, %div3A_263 : vector<1024x128xf32>
    %convert_element_type3A_265 = arith.truncf %div3A_264 : vector<1024x128xf32> to vector<1024x128xbf16>
    %get3A_266 = arith.constant 0 : index
    %get3A_267 = arith.constant 1664 : index
    %get3A_268 = vector.load %arg1[%get3A_266, %get3A_267] : memref<1024x2048xbf16, #tpu.memory_space<vmem>>, vector<1024x128xbf16>
    %dot_general3A_269 = arith.constant dense<0.000000e+00> : vector<1024x1280xf32>
    %dot_general3A_270 = tpu.matmul %get3A_268, %get3A_162, %dot_general3A_269 {dimension_numbers = #tpu.dot_dimension_numbers<[1], [1], [0], [0], [0, 0, 1, 0], [], []>, transpose_lhs_hint = false} : vector<1024x128xbf16>, vector<1280x128xbf16>, vector<1024x1280xf32> -> vector<1024x1280xf32>
    %mul3A_271 = arith.constant 0.127517432 : f32
    %mul3A_272 = vector.broadcast %mul3A_271 : f32 to vector<1024x1280xf32>
    %mul3A_273 = arith.mulf %dot_general3A_270, %mul3A_272 : vector<1024x1280xf32>
    %add3A_274 = vector.broadcast %get3A_1 : vector<1x1280xf32> to vector<1024x1280xf32>
    %add3A_275 = arith.addf %mul3A_273, %add3A_274 : vector<1024x1280xf32>
    %exp23A_276 = math.exp2 %add3A_275 : vector<1024x1280xf32>
    %reduce_sum3A_277 = arith.constant dense<0.000000e+00> : vector<1024xf32>
    %reduce_sum3A_278 = vector.multi_reduction <add>, %exp23A_276, %reduce_sum3A_277 [1] : vector<1024x1280xf32> to vector<1024xf32>
    %broadcast_in_dim3A_279 = vector.shape_cast %reduce_sum3A_278 : vector<1024xf32> to vector<1024x1xf32>
    %convert_element_type3A_280 = arith.truncf %exp23A_276 : vector<1024x1280xf32> to vector<1024x1280xbf16>
    %dot_general3A_281 = arith.constant dense<0.000000e+00> : vector<1024x128xf32>
    %dot_general3A_282 = tpu.matmul %convert_element_type3A_280, %get3A_165, %dot_general3A_281 {dimension_numbers = #tpu.dot_dimension_numbers<[1], [0], [0], [1], [0, 0, 1, 1], [], []>, transpose_lhs_hint = false} : vector<1024x1280xbf16>, vector<1280x128xbf16>, vector<1024x128xf32> -> vector<1024x128xf32>
    %div3A_283 = vector.broadcast %broadcast_in_dim3A_279 : vector<1024x1xf32> to vector<1024x128xf32>
    %div3A_284 = arith.divf %dot_general3A_282, %div3A_283 : vector<1024x128xf32>
    %convert_element_type3A_285 = arith.truncf %div3A_284 : vector<1024x128xf32> to vector<1024x128xbf16>
    %get3A_286 = arith.constant 0 : index
    %get3A_287 = arith.constant 1792 : index
    %get3A_288 = vector.load %arg1[%get3A_286, %get3A_287] : memref<1024x2048xbf16, #tpu.memory_space<vmem>>, vector<1024x128xbf16>
    %dot_general3A_289 = arith.constant dense<0.000000e+00> : vector<1024x1280xf32>
    %dot_general3A_290 = tpu.matmul %get3A_288, %get3A_162, %dot_general3A_289 {dimension_numbers = #tpu.dot_dimension_numbers<[1], [1], [0], [0], [0, 0, 1, 0], [], []>, transpose_lhs_hint = false} : vector<1024x128xbf16>, vector<1280x128xbf16>, vector<1024x1280xf32> -> vector<1024x1280xf32>
    %mul3A_291 = arith.constant 0.127517432 : f32
    %mul3A_292 = vector.broadcast %mul3A_291 : f32 to vector<1024x1280xf32>
    %mul3A_293 = arith.mulf %dot_general3A_290, %mul3A_292 : vector<1024x1280xf32>
    %add3A_294 = vector.broadcast %get3A_1 : vector<1x1280xf32> to vector<1024x1280xf32>
    %add3A_295 = arith.addf %mul3A_293, %add3A_294 : vector<1024x1280xf32>
    %exp23A_296 = math.exp2 %add3A_295 : vector<1024x1280xf32>
    %reduce_sum3A_297 = arith.constant dense<0.000000e+00> : vector<1024xf32>
    %reduce_sum3A_298 = vector.multi_reduction <add>, %exp23A_296, %reduce_sum3A_297 [1] : vector<1024x1280xf32> to vector<1024xf32>
    %broadcast_in_dim3A_299 = vector.shape_cast %reduce_sum3A_298 : vector<1024xf32> to vector<1024x1xf32>
    %convert_element_type3A_300 = arith.truncf %exp23A_296 : vector<1024x1280xf32> to vector<1024x1280xbf16>
    %dot_general3A_301 = arith.constant dense<0.000000e+00> : vector<1024x128xf32>
    %dot_general3A_302 = tpu.matmul %convert_element_type3A_300, %get3A_165, %dot_general3A_301 {dimension_numbers = #tpu.dot_dimension_numbers<[1], [0], [0], [1], [0, 0, 1, 1], [], []>, transpose_lhs_hint = false} : vector<1024x1280xbf16>, vector<1280x128xbf16>, vector<1024x128xf32> -> vector<1024x128xf32>
    %div3A_303 = vector.broadcast %broadcast_in_dim3A_299 : vector<1024x1xf32> to vector<1024x128xf32>
    %div3A_304 = arith.divf %dot_general3A_302, %div3A_303 : vector<1024x128xf32>
    %convert_element_type3A_305 = arith.truncf %div3A_304 : vector<1024x128xf32> to vector<1024x128xbf16>
    %get3A_306 = arith.constant 0 : index
    %get3A_307 = arith.constant 1920 : index
    %get3A_308 = vector.load %arg1[%get3A_306, %get3A_307] : memref<1024x2048xbf16, #tpu.memory_space<vmem>>, vector<1024x128xbf16>
    %dot_general3A_309 = arith.constant dense<0.000000e+00> : vector<1024x1280xf32>
    %dot_general3A_310 = tpu.matmul %get3A_308, %get3A_162, %dot_general3A_309 {dimension_numbers = #tpu.dot_dimension_numbers<[1], [1], [0], [0], [0, 0, 1, 0], [], []>, transpose_lhs_hint = false} : vector<1024x128xbf16>, vector<1280x128xbf16>, vector<1024x1280xf32> -> vector<1024x1280xf32>
    %mul3A_311 = arith.constant 0.127517432 : f32
    %mul3A_312 = vector.broadcast %mul3A_311 : f32 to vector<1024x1280xf32>
    %mul3A_313 = arith.mulf %dot_general3A_310, %mul3A_312 : vector<1024x1280xf32>
    %add3A_314 = vector.broadcast %get3A_1 : vector<1x1280xf32> to vector<1024x1280xf32>
    %add3A_315 = arith.addf %mul3A_313, %add3A_314 : vector<1024x1280xf32>
    %exp23A_316 = math.exp2 %add3A_315 : vector<1024x1280xf32>
    %reduce_sum3A_317 = arith.constant dense<0.000000e+00> : vector<1024xf32>
    %reduce_sum3A_318 = vector.multi_reduction <add>, %exp23A_316, %reduce_sum3A_317 [1] : vector<1024x1280xf32> to vector<1024xf32>
    %broadcast_in_dim3A_319 = vector.shape_cast %reduce_sum3A_318 : vector<1024xf32> to vector<1024x1xf32>
    %convert_element_type3A_320 = arith.truncf %exp23A_316 : vector<1024x1280xf32> to vector<1024x1280xbf16>
    %dot_general3A_321 = arith.constant dense<0.000000e+00> : vector<1024x128xf32>
    %dot_general3A_322 = tpu.matmul %convert_element_type3A_320, %get3A_165, %dot_general3A_321 {dimension_numbers = #tpu.dot_dimension_numbers<[1], [0], [0], [1], [0, 0, 1, 1], [], []>, transpose_lhs_hint = false} : vector<1024x1280xbf16>, vector<1280x128xbf16>, vector<1024x128xf32> -> vector<1024x128xf32>
    %div3A_323 = vector.broadcast %broadcast_in_dim3A_319 : vector<1024x1xf32> to vector<1024x128xf32>
    %div3A_324 = arith.divf %dot_general3A_322, %div3A_323 : vector<1024x128xf32>
    %convert_element_type3A_325 = arith.truncf %div3A_324 : vector<1024x128xf32> to vector<1024x128xbf16>
    %concatenate3A = tpu.concatenate %convert_element_type3A_19, %convert_element_type3A_39, %convert_element_type3A_59, %convert_element_type3A_79, %convert_element_type3A_99, %convert_element_type3A_119, %convert_element_type3A_139, %convert_element_type3A_159, %convert_element_type3A_185, %convert_element_type3A_205, %convert_element_type3A_225, %convert_element_type3A_245, %convert_element_type3A_265, %convert_element_type3A_285, %convert_element_type3A_305, %convert_element_type3A_325 in 1 : vector<1024x128xbf16>, vector<1024x128xbf16>, vector<1024x128xbf16>, vector<1024x128xbf16>, vector<1024x128xbf16>, vector<1024x128xbf16>, vector<1024x128xbf16>, vector<1024x128xbf16>, vector<1024x128xbf16>, vector<1024x128xbf16>, vector<1024x128xbf16>, vector<1024x128xbf16>, vector<1024x128xbf16>, vector<1024x128xbf16>, vector<1024x128xbf16>, vector<1024x128xbf16> -> vector<1024x2048xbf16>
    %get3A_326 = arith.constant 0 : index
    %get3A_327 = arith.constant 0 : index
    %get3A_328 = vector.load %arg4[%get3A_326, %get3A_327] : memref<2048x2048xbf16, #tpu.memory_space<vmem>>, vector<2048x2048xbf16>
    %dot_general3A_329 = arith.constant dense<0.000000e+00> : vector<1024x2048xf32>
    %dot_general3A_330 = tpu.matmul %concatenate3A, %get3A_328, %dot_general3A_329 {dimension_numbers = #tpu.dot_dimension_numbers<[1], [0], [0], [1], [0, 0, 1, 1], [], []>, transpose_lhs_hint = false} : vector<1024x2048xbf16>, vector<2048x2048xbf16>, vector<1024x2048xf32> -> vector<1024x2048xf32>
    %swap3A = arith.constant 0 : index
    %swap3A_331 = arith.constant 0 : index
    %swap3A_332 = vector.load %arg5[%swap3A, %swap3A_331] : memref<1024x2048xf32, #tpu.memory_space<vmem>>, vector<1024x2048xf32>
    tpu.vector_store %arg5[%swap3A, %swap3A_331], %dot_general3A_330 {strides = array<i32>} : memref<1024x2048xf32, #tpu.memory_space<vmem>>, vector<1024x2048xf32>,
    return
  }
  func.func @transform_0(%arg0: i32) -> (i32, i32) {
    %c0_i32 = arith.constant 0 : i32
    %c0_i32_0 = arith.constant 0 : i32
    return %arg0, %c0_i32 : i32, i32
  }
  func.func @transform_1(%arg0: i32) -> (i32, i32) {
    %c0_i32 = arith.constant 0 : i32
    %c0_i32_0 = arith.constant 0 : i32
    %c0_i32_1 = arith.constant 0 : i32
    return %c0_i32, %c0_i32_0 : i32, i32
  }
  func.func @transform_2(%arg0: i32) -> (i32, i32) {
    %c0_i32 = arith.constant 0 : i32
    %c0_i32_0 = arith.constant 0 : i32
    %c0_i32_1 = arith.constant 0 : i32
    return %c0_i32, %c0_i32_0 : i32, i32
  }
  func.func @transform_3(%arg0: i32) -> (i32, i32) {
    %c0_i32 = arith.constant 0 : i32
    %c0_i32_0 = arith.constant 0 : i32
    %c0_i32_1 = arith.constant 0 : i32
    return %c0_i32, %c0_i32_0 : i32, i32
  }
  func.func @transform_4(%arg0: i32) -> (i32, i32) {
    %c0_i32 = arith.constant 0 : i32
    %c0_i32_0 = arith.constant 0 : i32
    return %arg0, %c0_i32 : i32, i32
  }
}

</mosaic_0001>

<sc_bundles>
// kernel: kernel.6.cloned.1.call-start
scs
__scs_entry_jumppad:
0x0: {  	(pc) =	sbr.rel $0x88, $3  }
0x1: {  	(tag) =	ssettag $0x0;
	lr =	simm.s32 $0x1  }
0x2: {  	[smem:$0x3F97] =	sst lr;
	_ =	strace $0xD0000000  }
0x3: {  	_ = 	snop  }
0x4: {  	_ = 	snop  }
0x5: {  	_ = 	snop  }
0x6: {  	_ = 	snop  }
0x7: {  	_ = 	snop  }
__scs_overlays_trampoline_lowered:
0x8: {  	[smem:$0x3FA6] =	sst s0  }
0x9: {  	[smem:$0x3FA7] =	sst s1  }
0xa: {  	[smem:$0x3FA8] =	sst s2  }
0xb: {  	[smem:$0x3FA9] =	sst s3  }
0xc: {  	[smem:$0x3FAA] =	sst s4  }
0xd: {  	[smem:$0x3FAB] =	sst s5  }
0xe: {  	[smem:$0x3FAC] =	sst s6  }
0xf: {  	[smem:$0x3FAD] =	sst s7  }
0x10: {  	[smem:$0x3FAE] =	sst s8  }
0x11: {  	[smem:$0x3FAF] =	sst s9;
	s0 =	simm.s32 @!p0 $0x0  }
0x12: {  	s1 =	sld [smem:$0x3F95];
	s0 =	simm.s32 @p0 $0x1  }
0x13: {  	[smem:$0x3FB0] =	sst s0;
	s0 =	simm.s32 @!p1 $0x0  }
0x14: {  	s2 =	sld [smem:$0x3F94];
	s0 =	simm.s32 @p1 $0x1  }
0x15: {  	[smem:$0x3FB1] =	sst s0;
	s0 =	simm.s32 @!p2 $0x0  }
0x16: {  	s3 =	sld [smem:$0x3FDB];
	s0 =	simm.s32 @p2 $0x1  }
0x17: {  	s4 =	simm.s32 $0x1BF5;
	[smem:$0x3FB3] =	sst s0  }
0x18: {  	s0 =	sld [smem:$0x3F96];
	_ =	swait.ge [sflag:s4], $0x0  }
0x19: {  	s7 =	sld [smem:$0x3F97]  }
0x1a: {  	s8 =	sadd.s32 $0xFFFFE003, lr  }
0x1b: {  	s9 =	sadd.s32 $0xFFFFFEF7, lr;
	s5 =	simm.s32 $0xFFFFFFFF;
	p2 =	slt.u32 s8, $0xFFFFF086  }
0x1c: {  	p1 =	slt.u32 s9, $0xF7A;
	s5 =	simm.s32 @!p2 $0x0  }
0x1d: {  	s5 =	simm.s32 @p1 $0x1;
	p0 =	seq.s32 s7, s2  }
0x1e: {  	s7 =	smul.u32 @!p0 $0xF7A, s2;
	p2 =	seq.s32 @!p0 s5, $0x0  }
0x1f: {  	s9 =	smul.u32 $0xF7A, s1;
	s8 =	simm.s32 @!p0 $0x1BF5;
	p2 =	por !p2, p0  }
0x20: {  	[sflag:s8] =	ssyncset.s32 @!p0 $0xFFFFF086;
	s6 =	sadd.s32 @!p0 s3, s7;
	s7 =	simm.s32 @!p0 $0x108  }
0x21: {  	s3 =	sadd.s32 s3, s9;
	s6 =	sadd.s32 @!p0 $0x88, s6;
	s7 =	simm.s32 @p2 $0x1082  }
0x22: {  	[simem:s7], [sflag:s8] =	dma.local @!p0 [hbm:s6], $0xF7A  }
0x23: {  	s9 =	sor.u32 $0xD0000000, s2;
	s6 =	simm.s32 $0x108;
	_ =	swait.ge @!p0 [sflag:s8], $0x0  }
0x24: {  	s3 =	sadd.s32 $0x88, s3;
	s6 =	simm.s32 @!p1 $0x1082;
	[sflag:s4] =	ssyncset.s32 $0xFFFFF086  }
0x25: {  	[simem:s6], [sflag:s4] =	dma.local [hbm:s3], $0xF7A  }
0x26: {  	[smem:$0x3F97] =	sst s1;
	(tag) =	ssettag s2;
	_ =	strace s9  }
0x27: {  	s1 =	sld [smem:$0x3FA7]  }
0x28: {  	s2 =	sld [smem:$0x3FA8]  }
0x29: {  	s4 =	sld [smem:$0x3FAA]  }
0x2a: {  	p0 =	seq.s32 s5, $0x0;
	s5 =	sld [smem:$0x3FAB]  }
0x2b: {  	s6 =	sld [smem:$0x3FAC]  }
0x2c: {  	s7 =	sld [smem:$0x3FAD]  }
0x2d: {  	s3 =	simm.s32 $0x108;
	s8 =	sld [smem:$0x3FAE]  }
0x2e: {  	s3 =	simm.s32 @!p0 $0x1082;
	s9 =	sld [smem:$0x3FAF]  }
0x2f: {  	lr =	sadd.s32 s0, s3;
	s0 =	sld [smem:$0x3FA6]  }
0x30: {  	s3 =	sld [smem:$0x3FA9]  }
0x31: {  	[smem:$0x3FB2] =	sst s10  }
0x32: {  	s10 =	sld [smem:$0x3FB0];
	_ =	sdelay $0x3  }
0x33: {  	p0 =	seq.s32 s10, $0x1;
	s10 =	sld [smem:$0x3FB2];
	_ =	sdelay $0x3  }
0x34: {  	[smem:$0x3FB2] =	sst s10  }
0x35: {  	s10 =	sld [smem:$0x3FB1];
	_ =	sdelay $0x3  }
0x36: {  	p1 =	seq.s32 s10, $0x1;
	s10 =	sld [smem:$0x3FB2];
	_ =	sdelay $0x3  }
0x37: {  	[smem:$0x3FB2] =	sst s10  }
0x38: {  	s10 =	sld [smem:$0x3FB3]  }
0x39: {  	_ = 	snop;
	(pc) =	sbr.ind lr, $3  }
0x3a: {  	_ = 	snop  }
0x3b: {  	_ = 	snop  }
0x3c: {  	p2 =	seq.s32 s10, $0x1;
	s10 =	sld [smem:$0x3FB2]  }
0x3d: {  	_ =	shalt  }
0x3e: {  	_ =	shalt  }
0x3f: {  	_ =	shalt  }
0x40: {  	_ =	shalt  }
0x41: {  	_ =	shalt  }
0x42: {  	_ =	shalt  }
0x43: {  	_ =	shalt  }
0x44: {  	_ =	shalt  }
0x45: {  	_ =	shalt  }
0x46: {  	_ =	shalt  }
0x47: {  	_ =	shalt  }
0x48: {  	_ =	shalt  }
0x49: {  	_ =	shalt  }
0x4a: {  	_ =	shalt  }
0x4b: {  	_ =	shalt  }
0x4c: {  	_ =	shalt  }
0x4d: {  	_ =	shalt  }
0x4e: {  	_ =	shalt  }
0x4f: {  	_ =	shalt  }
0x50: {  	_ =	shalt  }
0x51: {  	_ =	shalt  }
0x52: {  	_ =	shalt  }
0x53: {  	_ =	shalt  }
0x54: {  	_ =	shalt  }
0x55: {  	_ =	shalt  }
0x56: {  	_ =	shalt  }
0x57: {  	_ =	shalt  }
0x58: {  	_ =	shalt  }
0x59: {  	_ =	shalt  }
0x5a: {  	_ =	shalt  }
0x5b: {  	_ =	shalt  }
0x5c: {  	_ =	shalt  }
0x5d: {  	_ =	shalt  }
0x5e: {  	_ =	shalt  }
0x5f: {  	_ =	shalt  }
0x60: {  	_ =	shalt  }
0x61: {  	_ =	shalt  }
0x62: {  	_ =	shalt  }
0x63: {  	_ =	shalt  }
0x64: {  	_ =	shalt  }
0x65: {  	_ =	shalt  }
0x66: {  	_ =	shalt  }
0x67: {  	_ =	shalt  }
0x68: {  	_ =	shalt  }
0x69: {  	_ =	shalt  }
0x6a: {  	_ =	shalt  }
0x6b: {  	_ =	shalt  }
0x6c: {  	_ =	shalt  }
0x6d: {  	_ =	shalt  }
0x6e: {  	_ =	shalt  }
0x6f: {  	_ =	shalt  }
0x70: {  	_ =	shalt  }
0x71: {  	_ =	shalt  }
0x72: {  	_ =	shalt  }
0x73: {  	_ =	shalt  }
0x74: {  	_ =	shalt  }
0x75: {  	_ =	shalt  }
0x76: {  	_ =	shalt  }
0x77: {  	_ =	shalt  }
0x78: {  	_ =	shalt  }
0x79: {  	_ =	shalt  }
0x7a: {  	_ =	shalt  }
0x7b: {  	_ =	shalt  }
0x7c: {  	_ =	shalt  }
0x7d: {  	_ =	shalt  }
0x7e: {  	_ =	shalt  }
0x7f: {  	_ =	shalt  }
0x80: {  	_ =	shalt  }
0x81: {  	_ =	shalt  }
0x82: {  	_ =	shalt  }
0x83: {  	_ =	shalt  }
0x84: {  	_ =	shalt  }
0x85: {  	_ =	shalt  }
0x86: {  	_ =	shalt  }
0x87: {  	_ =	shalt  }
.Lfunc_end0:
.L_simem_size_0:
called_computation_lowered:
.L_overlay_start_0:
0x88: {  	s0 =	sld [smem:$0x3FD9]  }
0x89: {  	s1 =	sld [smem:$0x3FFE];
	_ =	sdelay $0x3  }
0x8a: {  	s0 =	sadd.s32 s1, s0  }
0x8b: {  	[smem:$0x3FBE] =	sst s0  }
0x8c: {  	_ = 	snop  }
0x8d: {  	s0 =	sld [smem:$0x3FD0];
	(tm) =	ssettm $0x1  }
0x8e: {  	s16 =	sld [smem:$0x3FFB];
	_ =	sdelay $0x3  }
0x8f: {  	_ =	strace s16  }
0x90: {  	s1 =	sld [smem:$0x3FFC];
	_ =	sdelay $0x3  }
0x91: {  	_ =	strace s1  }
0x92: {  	s1 =	sld [smem:$0x3FFD];
	_ =	sdelay $0x3  }
0x93: {  	_ =	strace s1  }
0x94: {  	_ =	strace $0x8FFFFFFF  }
0x95: {  	s17 =	sld [smem:$0x3FDB];
	_ =	sdelay $0x1  }
0x96: {  	s2 =	simm.s32 $_scs_section_size  }
0x97: {  	s3 =	simm.s32 $_size__tile_overlayer_lowered;
	s4 =	simm.s32 $_tile_overlayer_lowered  }
0x98: {  	s20 =	simm.s32 $0x1BFF;
	s19 =	sshll.u32 s4, $0x1;
	s1 =	sadd.s32 s2, s17  }
0x99: {  	s5 =	simm.s32 $0x0;
	s18 =	sshll.u32 s3, $0x1;
	s3 =	sadd.s32 s19, s1  }
0x9a: {  	[timem:s5], [sflag:s20] =	dma.local [hbm:s3], s18  }
0x9b: {  	_ =	swait.ge [sflag:s20], s18  }
0x9c: {  	s2 =	ssub.s32 $0x0, s18;
	[sflag:s20] =	ssyncset.done $0x0  }
0x9d: {  	[sflag:s20] =	ssyncadd.s32 s2;
	_ =	sdelay $0x1  }
0x9e: {  	s21 =	simm.s32 $0x1B8B  }
0x9f: {  	_ =	swait.ge [sflag:s21], $0x1  }
0xa0: {  	[sflag:s21] =	ssyncset.done $0x0  }
0xa1: {  	s23 =	simm.s32 $0x1B8E;
	s22 =	sld [smem:$0x3FFE];
	[sflag:s21] =	ssyncadd.s32 $0xFFFFFFFF  }
0xa2: {  	s24 =	simm.s32 $execute0_lowered;
	[smem:$0x3FD2] =	sst s23  }
0xa3: {  	s3 =	sshll.u32 s24, $0x1;
	_ =	strace $0x80000046;
	[dreg:$0x1] =	wrdreg $0xFFFFFFFF  }
0xa4: {  	s25 =	simm.s32 $_size_execute0_lowered;
	s1 =	sadd.s32 s1, s3;
	[dreg:$0x0] =	wrdreg $0x0  }
0xa5: {  	s3 =	sshll.u32 s25, $0x1;
	[dreg:$0x2] =	wrdreg s1  }
0xa6: {  	[dreg:$0x3] =	wrdreg s3  }
0xa7: {  	[dreg:$0x4] =	wrdreg $0xC0  }
0xa8: {  	_ =	task [dreg:s5], $0x5FFFF  }
0xa9: {  	[dreg:$0x1] =	wrdreg $0xFFFFFFFF  }
0xaa: {  	[dreg:$0x0] =	wrdreg $0x60  }
0xab: {  	[dreg:$0x2] =	wrdreg s22  }
0xac: {  	[dreg:$0x3] =	wrdreg s0  }
0xad: {  	[dreg:$0x4] =	wrdreg $0x9  }
0xae: {  	_ =	task.clear_ibuf [dreg:s5], $0x5FFFF;
	_ =	strace $0x90000046  }
0xaf: {  	s26 =	simm.s32 $0x9;
	_ =	strace $0x80000048  }
0xb0: {  	_ =	swait.ge [sflag:s26], $0x1  }
0xb1: {  	[sflag:s26] =	ssyncadd.s32 $0xFFFFFFFF  }
0xb2: {  	_ =	strace $0x90000048  }
0xb3: {  	_ =	sfence  }
0xb4: {  	s28 =	sld [smem:$0x0];
	_ =	sdelay $0x1  }
0xb5: {  	s29 =	srdreg.scid  }
0xb6: {  	s30 =	sshll.u32 s29, $0xD;
	s31 =	sshrl.u32 s29, $0x2  }
0xb7: {  	s2 =	sand.u32 $0x4000, s30;
	s1 =	sand.u32 $0x1, s29;
	s0 =	sadd.s32 s31, s28  }
0xb8: {  	s1 =	sor.u32 s2, s1;
	s0 =	sshll.u32 s0, $0x11  }
0xb9: {  	s0 =	sor.u32 s0, s1  }
0xba: {  	s0 =	sadd.s32 $0x8F2B, s0  }
0xbb: {  	[sflag:s0] =	ssyncadd.remote.s32 $0x1  }
0xbc: {  	_ =	sfence.sel $0xFFFF  }
0xbd: {  	[dreg:$0x0] =	wrdreg $0xFFFFFFFF;
	(pc) =	sbr.abs _section_cstart, $3  }
0xbe: {  	[dreg:$0x1] =	wrdreg $0xFFFFFFFF  }
0xbf: {  	_ =	task.clear_ibuf [dreg:s5], $0x2FFFF;
	_ =	strace $0x9FFFFFFF  }
0xc0: {  	(tm) =	ssettm $0x7FFFFFFF  }
0xc1: {  	_ =	shalt  }
tec
execute0_lowered:
.L_overlay_start_1:
0x0: {  	(tag) =	ssettag $0x1  }
0x1: {  	s3 =	rddreg [dreg:$0x0]  }
0x2: {  	s4 =	rddreg [dreg:$0x1];
	s1 =	stileid.u32  }
0x3: {  	s0 =	rddreg [dreg:$0x2];
	s2 =	simm.s32 $0x0;
	s5 =	sshll.u32 s1, $0x5  }
0x4: {  	[smem:$0x7FF] =	sst s2;
	s5 =	sadd.s32 s5, s3  }
0x5: {  	s23 =	simm.s32 $0x2;
	_ =	strace $0x80000047;
	s5 =	sadd.s32 $0x84600, s5  }
0x6: {  	[tilespmem:s2], [sflag:$0x2] =	stream.linear.gather [hbm4b:s5+s2], $0x100, $0x38;
	[tilespmem:$0x10100] =	vst v63  }
0x7: {  	_ =	swait.ge [sflag:s23], $0x100  }
0x8: {  	s6 =	sshll.u32 s1, $0xD;
	[sflag:s23] =	ssyncset.done $0x0  }
0x9: {  	s24 =	simm.s32 $0x100;
	s4 =	sadd.s32 s4, s6;
	[sflag:s23] =	ssyncadd.s32 $0xFFFFFF00  }
0xa: {  	[tilespmem:s24], [sflag:$0x2] =	stream.linear.gather [hbm4b:s4+s2], $0x10000, $0x38;
	[tilespmem:$0x10100] =	vst v63  }
0xb: {  	_ =	swait.ge [sflag:s23], $0x10000  }
0xc: {  	[sflag:s23] =	ssyncset.done $0x0  }
0xd: {  	[sflag:s23] =	ssyncadd.s32 $0xFFFF0000  }
0xe: {  	v0 =	vld [tilespmem:$0x0];
	_ =	sdelay $0x4  }
0xf: {  	v1 =	vshll.u32 v0, $0x1  }
0x10: {  	v2 =	vlaneseq.u32;
	v0 =	vand.u32 $0x7, v0;
	v1 =	vand.u32 $0xFFFFFFF0, v1  }
0x11: {  	v46 =	vand.u32 $0x7, v2;
	v47 =	vshrl.u32 v2, $0x3;
	v3 =	vor.u32 v0, v1  }
0x12: {  	v1 =	vmul.u32 $0x8, v47;
	v4 =	vperm.xlane v3, v46  }
0x13: {  	v2 =	vor.u32 $0x8, v2  }
0x14: {  	v3 =	vperm.xlane v3, v2;
	v4 =	vadd.s32 v1, v4;
	_ =	sdelay $0x1  }
0x15: {  	v3 =	vadd.s32 v1, v3;
	_ =	sdelay $0x1  }
0x16: {  	vm0 =	vmmov $0xffff;
	s3 =	sadd.s32 $0x84800, s3  }
0x17: {  	[hbm4b:s3+s2] =	stream.indirect_vreg.scatter [tilespmem:s24], [sflag:$0x1], $0x80, v4, vm0, $0xb8;
	[tilespmem:$0x10100] =	vst v63  }
0x18: {  	s25 =	simm.s32 $0x900  }
0x19: {  	[hbm4b:s3+s2] =	stream.indirect_vreg.scatter [tilespmem:s25], [sflag:$0x1], $0x80, v3, vm0, $0xb8;
	[tilespmem:$0x10100] =	vst v63  }
0x1a: {  	v3 =	vld [tilespmem:$0x10];
	_ =	sdelay $0x4  }
0x1b: {  	v48 =	vshll.u32 v3, $0x1  }
0x1c: {  	v3 =	vand.u32 $0x7, v3;
	v4 =	vand.u32 $0xFFFFFFF0, v48  }
0x1d: {  	v3 =	vor.u32 v3, v4  }
0x1e: {  	v4 =	vperm.xlane v3, v46;
	_ =	sdelay $0x1  }
0x1f: {  	v3 =	vperm.xlane v3, v2;
	v4 =	vadd.s32 v1, v4;
	_ =	sdelay $0x1  }
0x20: {  	v3 =	vadd.s32 v1, v3;
	_ =	sdelay $0x1  }
0x21: {  	s26 =	simm.s32 $0x1100  }
0x22: {  	[hbm4b:s3+s2] =	stream.indirect_vreg.scatter [tilespmem:s26], [sflag:$0x1], $0x80, v4, vm0, $0xb8;
	[tilespmem:$0x10100] =	vst v63  }
0x23: {  	s28 =	simm.s32 $0x1900  }
0x24: {  	[hbm4b:s3+s2] =	stream.indirect_vreg.scatter [tilespmem:s28], [sflag:$0x1], $0x80, v3, vm0, $0xb8;
	[tilespmem:$0x10100] =	vst v63  }
0x25: {  	v3 =	vld [tilespmem:$0x20];
	_ =	sdelay $0x4  }
0x26: {  	v49 =	vshll.u32 v3, $0x1  }
0x27: {  	v3 =	vand.u32 $0x7, v3;
	v4 =	vand.u32 $0xFFFFFFF0, v49  }
0x28: {  	v3 =	vor.u32 v3, v4  }
0x29: {  	v4 =	vperm.xlane v3, v46;
	_ =	sdelay $0x1  }
0x2a: {  	v3 =	vperm.xlane v3, v2;
	v4 =	vadd.s32 v1, v4;
	_ =	sdelay $0x1  }
0x2b: {  	v3 =	vadd.s32 v1, v3;
	_ =	sdelay $0x1  }
0x2c: {  	s29 =	simm.s32 $0x2100  }
0x2d: {  	[hbm4b:s3+s2] =	stream.indirect_vreg.scatter [tilespmem:s29], [sflag:$0x1], $0x80, v4, vm0, $0xb8;
	[tilespmem:$0x10100] =	vst v63  }
0x2e: {  	s30 =	simm.s32 $0x2900  }
0x2f: {  	[hbm4b:s3+s2] =	stream.indirect_vreg.scatter [tilespmem:s30], [sflag:$0x1], $0x80, v3, vm0, $0xb8;
	[tilespmem:$0x10100] =	vst v63  }
0x30: {  	v3 =	vld [tilespmem:$0x30];
	_ =	sdelay $0x4  }
0x31: {  	v50 =	vshll.u32 v3, $0x1  }
0x32: {  	v3 =	vand.u32 $0x7, v3;
	v4 =	vand.u32 $0xFFFFFFF0, v50  }
0x33: {  	v3 =	vor.u32 v3, v4  }
0x34: {  	v4 =	vperm.xlane v3, v46;
	_ =	sdelay $0x1  }
0x35: {  	v3 =	vperm.xlane v3, v2;
	v4 =	vadd.s32 v1, v4;
	_ =	sdelay $0x1  }
0x36: {  	v3 =	vadd.s32 v1, v3;
	_ =	sdelay $0x1  }
0x37: {  	s31 =	simm.s32 $0x3100  }
0x38: {  	[hbm4b:s3+s2] =	stream.indirect_vreg.scatter [tilespmem:s31], [sflag:$0x1], $0x80, v4, vm0, $0xb8;
	[tilespmem:$0x10100] =	vst v63  }
0x39: {  	s5 =	simm.s32 $0x3900  }
0x3a: {  	[hbm4b:s3+s2] =	stream.indirect_vreg.scatter [tilespmem:s5], [sflag:$0x1], $0x80, v3, vm0, $0xb8;
	[tilespmem:$0x10100] =	vst v63  }
0x3b: {  	v3 =	vld [tilespmem:$0x40];
	_ =	sdelay $0x4  }
0x3c: {  	v51 =	vshll.u32 v3, $0x1  }
0x3d: {  	v3 =	vand.u32 $0x7, v3;
	v4 =	vand.u32 $0xFFFFFFF0, v51  }
0x3e: {  	v3 =	vor.u32 v3, v4  }
0x3f: {  	v4 =	vperm.xlane v3, v46;
	_ =	sdelay $0x1  }
0x40: {  	v3 =	vperm.xlane v3, v2;
	v4 =	vadd.s32 v1, v4;
	_ =	sdelay $0x1  }
0x41: {  	v3 =	vadd.s32 v1, v3;
	_ =	sdelay $0x1  }
0x42: {  	s6 =	simm.s32 $0x4100  }
0x43: {  	[hbm4b:s3+s2] =	stream.indirect_vreg.scatter [tilespmem:s6], [sflag:$0x1], $0x80, v4, vm0, $0xb8;
	[tilespmem:$0x10100] =	vst v63  }
0x44: {  	s7 =	simm.s32 $0x4900  }
0x45: {  	[hbm4b:s3+s2] =	stream.indirect_vreg.scatter [tilespmem:s7], [sflag:$0x1], $0x80, v3, vm0, $0xb8;
	[tilespmem:$0x10100] =	vst v63  }
0x46: {  	v3 =	vld [tilespmem:$0x50];
	_ =	sdelay $0x4  }
0x47: {  	v52 =	vshll.u32 v3, $0x1  }
0x48: {  	v3 =	vand.u32 $0x7, v3;
	v4 =	vand.u32 $0xFFFFFFF0, v52  }
0x49: {  	v3 =	vor.u32 v3, v4  }
0x4a: {  	v4 =	vperm.xlane v3, v46;
	_ =	sdelay $0x1  }
0x4b: {  	v3 =	vperm.xlane v3, v2;
	v4 =	vadd.s32 v1, v4;
	_ =	sdelay $0x1  }
0x4c: {  	v3 =	vadd.s32 v1, v3;
	_ =	sdelay $0x1  }
0x4d: {  	s8 =	simm.s32 $0x5100  }
0x4e: {  	[hbm4b:s3+s2] =	stream.indirect_vreg.scatter [tilespmem:s8], [sflag:$0x1], $0x80, v4, vm0, $0xb8;
	[tilespmem:$0x10100] =	vst v63  }
0x4f: {  	s9 =	simm.s32 $0x5900  }
0x50: {  	[hbm4b:s3+s2] =	stream.indirect_vreg.scatter [tilespmem:s9], [sflag:$0x1], $0x80, v3, vm0, $0xb8;
	[tilespmem:$0x10100] =	vst v63  }
0x51: {  	v3 =	vld [tilespmem:$0x60];
	_ =	sdelay $0x4  }
0x52: {  	v53 =	vshll.u32 v3, $0x1  }
0x53: {  	v3 =	vand.u32 $0x7, v3;
	v4 =	vand.u32 $0xFFFFFFF0, v53  }
0x54: {  	v3 =	vor.u32 v3, v4  }
0x55: {  	v4 =	vperm.xlane v3, v46;
	_ =	sdelay $0x1  }
0x56: {  	v3 =	vperm.xlane v3, v2;
	v4 =	vadd.s32 v1, v4;
	_ =	sdelay $0x1  }
0x57: {  	v3 =	vadd.s32 v1, v3;
	_ =	sdelay $0x1  }
0x58: {  	s10 =	simm.s32 $0x6100  }
0x59: {  	[hbm4b:s3+s2] =	stream.indirect_vreg.scatter [tilespmem:s10], [sflag:$0x1], $0x80, v4, vm0, $0xb8;
	[tilespmem:$0x10100] =	vst v63  }
0x5a: {  	s11 =	simm.s32 $0x6900  }
0x5b: {  	[hbm4b:s3+s2] =	stream.indirect_vreg.scatter [tilespmem:s11], [sflag:$0x1], $0x80, v3, vm0, $0xb8;
	[tilespmem:$0x10100] =	vst v63  }
0x5c: {  	v3 =	vld [tilespmem:$0x70];
	_ =	sdelay $0x4  }
0x5d: {  	v54 =	vshll.u32 v3, $0x1  }
0x5e: {  	v3 =	vand.u32 $0x7, v3;
	v4 =	vand.u32 $0xFFFFFFF0, v54  }
0x5f: {  	v3 =	vor.u32 v3, v4  }
0x60: {  	v4 =	vperm.xlane v3, v46;
	_ =	sdelay $0x1  }
0x61: {  	v3 =	vperm.xlane v3, v2;
	v4 =	vadd.s32 v1, v4;
	_ =	sdelay $0x1  }
0x62: {  	v3 =	vadd.s32 v1, v3;
	_ =	sdelay $0x1  }
0x63: {  	s12 =	simm.s32 $0x7100  }
0x64: {  	[hbm4b:s3+s2] =	stream.indirect_vreg.scatter [tilespmem:s12], [sflag:$0x1], $0x80, v4, vm0, $0xb8;
	[tilespmem:$0x10100] =	vst v63  }
0x65: {  	s13 =	simm.s32 $0x7900;
	s14 =	simm.s32 $0x1  }
0x66: {  	[hbm4b:s3+s2] =	stream.indirect_vreg.scatter [tilespmem:s13], [sflag:$0x1], $0x80, v3, vm0, $0xb8;
	[tilespmem:$0x10100] =	vst v63  }
0x67: {  	_ =	swait.ge [sflag:s14], $0x8000  }
0x68: {  	[sflag:s14] =	ssyncset.done $0x0  }
0x69: {  	[sflag:s14] =	ssyncadd.s32 $0xFFFF8000  }
0x6a: {  	v55 =	vld [tilespmem:$0x80];
	_ =	sdelay $0x4  }
0x6b: {  	v56 =	vshll.u32 v55, $0x1  }
0x6c: {  	v3 =	vand.u32 $0x7, v55;
	v4 =	vand.u32 $0xFFFFFFF0, v56  }
0x6d: {  	v3 =	vor.u32 v3, v4  }
0x6e: {  	v4 =	vperm.xlane v3, v46;
	_ =	sdelay $0x1  }
0x6f: {  	v3 =	vperm.xlane v3, v2;
	v4 =	vadd.s32 v1, v4;
	_ =	sdelay $0x1  }
0x70: {  	v3 =	vadd.s32 v1, v3;
	_ =	sdelay $0x1  }
0x71: {  	s15 =	simm.s32 $0x8100  }
0x72: {  	[hbm4b:s3+s2] =	stream.indirect_vreg.scatter [tilespmem:s15], [sflag:$0x1], $0x80, v4, vm0, $0xb8;
	[tilespmem:$0x10100] =	vst v63  }
0x73: {  	s16 =	simm.s32 $0x8900  }
0x74: {  	[hbm4b:s3+s2] =	stream.indirect_vreg.scatter [tilespmem:s16], [sflag:$0x1], $0x80, v3, vm0, $0xb8;
	[tilespmem:$0x10100] =	vst v63  }
0x75: {  	v3 =	vld [tilespmem:$0x90];
	_ =	sdelay $0x4  }
0x76: {  	v57 =	vshll.u32 v3, $0x1  }
0x77: {  	v3 =	vand.u32 $0x7, v3;
	v4 =	vand.u32 $0xFFFFFFF0, v57  }
0x78: {  	v3 =	vor.u32 v3, v4  }
0x79: {  	v4 =	vperm.xlane v3, v46;
	_ =	sdelay $0x1  }
0x7a: {  	v3 =	vperm.xlane v3, v2;
	v4 =	vadd.s32 v1, v4;
	_ =	sdelay $0x1  }
0x7b: {  	v3 =	vadd.s32 v1, v3;
	_ =	sdelay $0x1  }
0x7c: {  	s17 =	simm.s32 $0x9100  }
0x7d: {  	[hbm4b:s3+s2] =	stream.indirect_vreg.scatter [tilespmem:s17], [sflag:$0x1], $0x80, v4, vm0, $0xb8;
	[tilespmem:$0x10100] =	vst v63  }
0x7e: {  	s18 =	simm.s32 $0x9900  }
0x7f: {  	[hbm4b:s3+s2] =	stream.indirect_vreg.scatter [tilespmem:s18], [sflag:$0x1], $0x80, v3, vm0, $0xb8;
	[tilespmem:$0x10100] =	vst v63  }
0x80: {  	v3 =	vld [tilespmem:$0xA0];
	_ =	sdelay $0x4  }
0x81: {  	v58 =	vshll.u32 v3, $0x1  }
0x82: {  	v3 =	vand.u32 $0x7, v3;
	v4 =	vand.u32 $0xFFFFFFF0, v58  }
0x83: {  	v3 =	vor.u32 v3, v4  }
0x84: {  	v4 =	vperm.xlane v3, v46;
	_ =	sdelay $0x1  }
0x85: {  	v3 =	vperm.xlane v3, v2;
	v4 =	vadd.s32 v1, v4;
	_ =	sdelay $0x1  }
0x86: {  	v3 =	vadd.s32 v1, v3;
	_ =	sdelay $0x1  }
0x87: {  	s19 =	simm.s32 $0xA100  }
0x88: {  	[hbm4b:s3+s2] =	stream.indirect_vreg.scatter [tilespmem:s19], [sflag:$0x1], $0x80, v4, vm0, $0xb8;
	[tilespmem:$0x10100] =	vst v63  }
0x89: {  	s20 =	simm.s32 $0xA900  }
0x8a: {  	[hbm4b:s3+s2] =	stream.indirect_vreg.scatter [tilespmem:s20], [sflag:$0x1], $0x80, v3, vm0, $0xb8;
	[tilespmem:$0x10100] =	vst v63  }
0x8b: {  	v3 =	vld [tilespmem:$0xB0];
	_ =	sdelay $0x4  }
0x8c: {  	v59 =	vshll.u32 v3, $0x1  }
0x8d: {  	v3 =	vand.u32 $0x7, v3;
	v4 =	vand.u32 $0xFFFFFFF0, v59  }
0x8e: {  	v3 =	vor.u32 v3, v4  }
0x8f: {  	v4 =	vperm.xlane v3, v46;
	_ =	sdelay $0x1  }
0x90: {  	v3 =	vperm.xlane v3, v2;
	v4 =	vadd.s32 v1, v4;
	_ =	sdelay $0x1  }
0x91: {  	v3 =	vadd.s32 v1, v3;
	_ =	sdelay $0x1  }
0x92: {  	s21 =	simm.s32 $0xB100  }
0x93: {  	[hbm4b:s3+s2] =	stream.indirect_vreg.scatter [tilespmem:s21], [sflag:$0x1], $0x80, v4, vm0, $0xb8;
	[tilespmem:$0x10100] =	vst v63  }
0x94: {  	s22 =	simm.s32 $0xB900  }
0x95: {  	[hbm4b:s3+s2] =	stream.indirect_vreg.scatter [tilespmem:s22], [sflag:$0x1], $0x80, v3, vm0, $0xb8;
	[tilespmem:$0x10100] =	vst v63  }
0x96: {  	v3 =	vld [tilespmem:$0xC0];
	_ =	sdelay $0x4  }
0x97: {  	v60 =	vshll.u32 v3, $0x1  }
0x98: {  	v3 =	vand.u32 $0x7, v3;
	v4 =	vand.u32 $0xFFFFFFF0, v60  }
0x99: {  	v3 =	vor.u32 v3, v4  }
0x9a: {  	v4 =	vperm.xlane v3, v46;
	_ =	sdelay $0x1  }
0x9b: {  	v3 =	vperm.xlane v3, v2;
	v4 =	vadd.s32 v1, v4;
	_ =	sdelay $0x1  }
0x9c: {  	v3 =	vadd.s32 v1, v3;
	_ =	sdelay $0x1  }
0x9d: {  	s23 =	simm.s32 $0xC100  }
0x9e: {  	[hbm4b:s3+s2] =	stream.indirect_vreg.scatter [tilespmem:s23], [sflag:$0x1], $0x80, v4, vm0, $0xb8;
	[tilespmem:$0x10100] =	vst v63  }
0x9f: {  	s24 =	simm.s32 $0xC900  }
0xa0: {  	[hbm4b:s3+s2] =	stream.indirect_vreg.scatter [tilespmem:s24], [sflag:$0x1], $0x80, v3, vm0, $0xb8;
	[tilespmem:$0x10100] =	vst v63  }
0xa1: {  	v3 =	vld [tilespmem:$0xD0];
	_ =	sdelay $0x4  }
0xa2: {  	v61 =	vshll.u32 v3, $0x1  }
0xa3: {  	v3 =	vand.u32 $0x7, v3;
	v4 =	vand.u32 $0xFFFFFFF0, v61  }
0xa4: {  	v3 =	vor.u32 v3, v4  }
0xa5: {  	v4 =	vperm.xlane v3, v46;
	_ =	sdelay $0x1  }
0xa6: {  	v3 =	vperm.xlane v3, v2;
	v4 =	vadd.s32 v1, v4;
	_ =	sdelay $0x1  }
0xa7: {  	v3 =	vadd.s32 v1, v3;
	_ =	sdelay $0x1  }
0xa8: {  	s25 =	simm.s32 $0xD100  }
0xa9: {  	[hbm4b:s3+s2] =	stream.indirect_vreg.scatter [tilespmem:s25], [sflag:$0x1], $0x80, v4, vm0, $0xb8;
	[tilespmem:$0x10100] =	vst v63  }
0xaa: {  	s26 =	simm.s32 $0xD900  }
0xab: {  	[hbm4b:s3+s2] =	stream.indirect_vreg.scatter [tilespmem:s26], [sflag:$0x1], $0x80, v3, vm0, $0xb8;
	[tilespmem:$0x10100] =	vst v63  }
0xac: {  	v3 =	vld [tilespmem:$0xE0];
	_ =	sdelay $0x4  }
0xad: {  	v62 =	vshll.u32 v3, $0x1  }
0xae: {  	v3 =	vand.u32 $0x7, v3;
	v4 =	vand.u32 $0xFFFFFFF0, v62  }
0xaf: {  	v3 =	vor.u32 v3, v4  }
0xb0: {  	v4 =	vperm.xlane v3, v46;
	_ =	sdelay $0x1  }
0xb1: {  	v3 =	vperm.xlane v3, v2;
	v4 =	vadd.s32 v1, v4;
	_ =	sdelay $0x1  }
0xb2: {  	v3 =	vadd.s32 v1, v3;
	_ =	sdelay $0x1  }
0xb3: {  	s28 =	simm.s32 $0xE100  }
0xb4: {  	[hbm4b:s3+s2] =	stream.indirect_vreg.scatter [tilespmem:s28], [sflag:$0x1], $0x80, v4, vm0, $0xb8;
	[tilespmem:$0x10100] =	vst v63  }
0xb5: {  	s29 =	simm.s32 $0xE900  }
0xb6: {  	[hbm4b:s3+s2] =	stream.indirect_vreg.scatter [tilespmem:s29], [sflag:$0x1], $0x80, v3, vm0, $0xb8;
	[tilespmem:$0x10100] =	vst v63  }
0xb7: {  	v3 =	vld [tilespmem:$0xF0];
	_ =	sdelay $0x4  }
0xb8: {  	v63 =	vshll.u32 v3, $0x1  }
0xb9: {  	v3 =	vand.u32 $0x7, v3;
	v4 =	vand.u32 $0xFFFFFFF0, v63  }
0xba: {  	v3 =	vor.u32 v3, v4  }
0xbb: {  	v0 =	vperm.xlane v3, v46;
	_ =	sdelay $0x1  }
0xbc: {  	v2 =	vperm.xlane v3, v2;
	v0 =	vadd.s32 v1, v0;
	_ =	sdelay $0x1  }
0xbd: {  	v1 =	vadd.s32 v1, v2;
	_ =	sdelay $0x1  }
0xbe: {  	s30 =	simm.s32 $0xF100  }
0xbf: {  	[hbm4b:s3+s2] =	stream.indirect_vreg.scatter [tilespmem:s30], [sflag:$0x1], $0x80, v0, vm0, $0xb8;
	[tilespmem:$0x10100] =	vst v63  }
0xc0: {  	s31 =	simm.s32 $0xF900  }
0xc1: {  	[hbm4b:s3+s2] =	stream.indirect_vreg.scatter [tilespmem:s31], [sflag:$0x1], $0x80, v1, vm0, $0xb8;
	[tilespmem:$0x10100] =	vst v63  }
0xc2: {  	_ =	swait.ge [sflag:s14], $0x8000  }
0xc3: {  	[sflag:s14] =	ssyncset.done $0x0  }
0xc4: {  	[sflag:s14] =	ssyncadd.s32 $0xFFFF8000  }
0xc5: {  	_ =	sfence.sel $0x180000  }
0xc6: {  	[bflag:$0x0] =	sbarrier.arrive $0xFFFF  }
0xc7: {  	p0 =	sne.s32 s1, $0x0;
	_ =	strace $0x90000047  }
0xc8: {  	s0 =	sadd.s32 @!p0 $0x100000, s0;
	[bflag:$0x2] =	sbarrier.arrive $0xFFFF  }
0xc9: {  	[sflag:s0] =	ssyncadd.tile.s32 @!p0 $0x1;
	_ =	shalt  }
.Lfunc_end2:
_tile_overlayer_lowered:
.L_overlay_start_2:
0xca: {  	(tag) =	ssettag $0x2  }
0xcb: {  	s0 =	rddreg [dreg:$0x0];
	s2 =	stileid.u32  }
0xcc: {  	s1 =	rddreg [dreg:$0x1];
	p0 =	sne.s32 s2, $0x0  }
0xcd: {  	s3 =	rddreg [dreg:$0x2];
	[bflag:$0x3] =	sbarrier.arrive $0xFFFF;
	s2 =	simm.s32 @!p0 $0x1C02  }
0xce: {  	[timem:s3], [sflag:s2] =	dma.local @!p0 [hbm:s0], s1  }
0xcf: {  	s0 =	simm.s32 @!p0 $0x2  }
0xd0: {  	_ =	swait.ge @!p0 [sflag:s0], s1  }
0xd1: {  	s1 =	ssub.s32 @!p0 $0x0, s1;
	[sflag:s0] =	ssyncset.done @!p0 $0x0  }
0xd2: {  	[sflag:s0] =	ssyncadd.s32 @!p0 s1  }
0xd3: {  	[bflag:$0x3] =	sbarrier.arrive $0xFFFF  }
0xd4: {  	_ =	shalt  }

</sc_bundles>
